<compile_context>
chip_gen: v7x
topology: tpu7x:2x2x1
jax: 0.10.2.dev20260603
libtpu: 0.0.44.dev20260713+nightly
codegen_flags: <defaults>
</compile_context>

<pallas_src>
import functools

import jax
import jax.numpy as jnp
from jax import lax
from jax.experimental import pallas as pl
from jax.experimental.pallas import tpu as pltpu
from jax.experimental.pallas import tpu_sc as plsc


def _build_gather_t(B, V, D):
    info = plsc.get_sparse_core_info()
    NC, NS = info.num_cores, info.num_subcores
    NW = NC * NS
    assert B % NW == 0
    b_per_w = B // NW
    mesh = plsc.VectorSubcoreMesh(core_axis_name="c", subcore_axis_name="s")

    @functools.partial(
        pl.kernel,
        mesh=mesh,
        out_type=jax.ShapeDtypeStruct((D, B), jnp.float32),
        scratch_types=[
            pltpu.VMEM((b_per_w,), jnp.int32),
            pltpu.VMEM((D, b_per_w), jnp.float32),
            pltpu.SemaphoreType.DMA,
        ],
        compiler_params=pltpu.CompilerParams(use_tc_tiling_on_sc=False),
    )
    def gather_kernel(ids_hbm, table_t_hbm, out_t_hbm, idx_v, rows_v, sem):
        wid = lax.axis_index("s") * NC + lax.axis_index("c")
        base = wid * b_per_w
        pltpu.sync_copy(ids_hbm.at[pl.ds(base, b_per_w)], idx_v)
        gathers = [
            pltpu.async_copy(table_t_hbm.at[d].at[idx_v], rows_v.at[d], sem)
            for d in range(D)
        ]
        for g in gathers:
            g.wait()
        pltpu.sync_copy(rows_v, out_t_hbm.at[:, pl.ds(base, b_per_w)])

    return gather_kernel


def kernel(intent_ids, embedding_table):
    if intent_ids.ndim == 2:
        intent_ids = jnp.squeeze(intent_ids, axis=1)
    ids = intent_ids.astype(jnp.int32)
    B = ids.shape[0]
    V, D = embedding_table.shape
    out_t = _build_gather_t(B, V, D)(ids, embedding_table.T)
    return out_t.T

# --- scband reference (transcript-rebuilt; emitter-appended) ---
"""Pipeline reference for scband-intent-embedding-57664230916509 (READ-ONLY COPY).

The authoritative reference and input builder live on the scoring server;
editing this copy changes nothing except your own understanding.
"""

import jax, jax.numpy as jnp
import numpy as np

N_INTENTS = 100000
EMBED_DIM = 32
BATCH = 16384

def setup_inputs(seed: int = 0) -> dict:
    key = jax.random.key(seed)
    k_idx, k_emb = jax.random.split(key)
    intent_ids = jax.random.randint(k_idx, (BATCH,), 0, N_INTENTS, dtype=jnp.int64 if jax.config.jax_enable_x64 else jnp.int32)
    embedding_table = jax.random.normal(k_emb, (N_INTENTS, EMBED_DIM), dtype=jnp.float32)
    return {"intent_ids": intent_ids, "embedding_table": embedding_table}

def reference(intent_ids, embedding_table):
    # torch: if intent_ids.dim() == 2: squeeze(1)
    if intent_ids.ndim == 2:
        intent_ids = jnp.squeeze(intent_ids, axis=1)
    # nn.Embedding lookup -> gather rows
    return jnp.take(embedding_table, intent_ids, axis=0)

if __name__ == "__main__":
    import jax
    _d = setup_inputs()
    print(jax.jit(kernel)(*tuple(_d.values())))

</pallas_src>

<mosaic_0001>
#map = affine_map<(d0, d1) -> (0)>
#map1 = affine_map<(d0, d1) -> (0, 0)>
module attributes {stable_mosaic.version = 14 : i64} {
  func.func @gather_kernel(%arg0: i32, %arg1: i32, %arg2: memref<16384xi32, #tpu.memory_space<hbm>>, %arg3: memref<32x100000xf32, #tpu.memory_space<hbm>>, %arg4: memref<32x16384xf32, #tpu.memory_space<hbm>>, %arg5: memref<512xi32, #tpu.memory_space<vmem>>, %arg6: memref<32x512xf32, #tpu.memory_space<vmem>>, %arg7: memref<!tpu.dma_semaphore, #tpu.memory_space<semaphore_mem>>) attributes {dimension_semantics = [#tpu.dimension_semantics<core_parallel>, #tpu.dimension_semantics<subcore_parallel>], iteration_bounds = array<i64: 2, 16>, scalar_prefetch = 0 : i64, scratch_operands = 3 : i64, tpu.core_type = #tpu.core_type<sc_vector_subcore>, window_params = [{transform_indices = #map}, {transform_indices = #map1}, {transform_indices = #map1}]} {
    %mul3A = arith.constant 2 : i32
    %mul3A_0 = arith.muli %arg1, %mul3A : i32
    %add3A = arith.addi %mul3A_0, %arg0 : i32
    %mul3A_1 = arith.constant 512 : i32
    %mul3A_2 = arith.muli %add3A, %mul3A_1 : i32
    "tpu.region"() ({
      %run_scoped3A = tpu.sem_alloc : memref<!tpu.dma_semaphore, #tpu.memory_space<semaphore_mem>>
      %dma_start3A_641 = tpu.memref_slice %arg2[%mul3A_2] : memref<16384xi32, #tpu.memory_space<hbm>> -> memref<512xi32, #tpu.memory_space<hbm>>
      %dma_start3A_642 = tpu.memref_slice %arg2[%mul3A_2] : memref<16384xi32, #tpu.memory_space<hbm>> -> memref<512xi32, #tpu.memory_space<hbm>>
      tpu.enqueue_dma source(%dma_start3A_642 : memref<512xi32, #tpu.memory_space<hbm>>) target(%arg5 : memref<512xi32, #tpu.memory_space<vmem>>) target_semaphore(%run_scoped3A : memref<!tpu.dma_semaphore, #tpu.memory_space<semaphore_mem>>)
      %dma_wait3A_643 = tpu.memref_slice %arg2[%mul3A_2] : memref<16384xi32, #tpu.memory_space<hbm>> -> memref<512xi32, #tpu.memory_space<hbm>>
      %dma_wait3A_644 = tpu.memref_slice %arg2[%mul3A_2] : memref<16384xi32, #tpu.memory_space<hbm>> -> memref<512xi32, #tpu.memory_space<hbm>>
      tpu.wait_dma2 semaphore(%run_scoped3A : memref<!tpu.dma_semaphore, #tpu.memory_space<semaphore_mem>>) src(%dma_wait3A_644 : memref<512xi32, #tpu.memory_space<hbm>>) dst(%arg5 : memref<512xi32, #tpu.memory_space<vmem>>)
      tpu.yield
    }) : () -> ()
    %dma_start3A = arith.constant 0 : i32
    %dma_start3A_3 = arith.constant 0 : i32
    %dma_start3A_4 = arith.constant 0 : i32
    %dma_start3A_5 = tpu.memref_slice %arg6[%dma_start3A_3, %dma_start3A_4] : memref<32x512xf32, #tpu.memory_space<vmem>> -> memref<1x512xf32, #tpu.memory_space<vmem>>
    %dma_start3A_6 = tpu.memref_squeeze %dma_start3A_5 : memref<1x512xf32, #tpu.memory_space<vmem>> -> memref<512xf32, #tpu.memory_space<vmem>>
    %dma_start3A_7 = arith.constant 0 : i32
    %dma_start3A_8 = tpu.memref_slice %arg3[%dma_start3A, %dma_start3A_7] : memref<32x100000xf32, #tpu.memory_space<hbm>> -> memref<1x100000xf32, #tpu.memory_space<hbm>>
    %dma_start3A_9 = tpu.memref_squeeze %dma_start3A_8 : memref<1x100000xf32, #tpu.memory_space<hbm>> -> memref<100000xf32, #tpu.memory_space<hbm>>
    %dma_start3A_10 = arith.constant 0 : i32
    %dma_start3A_11 = tpu.memref_slice %dma_start3A_9[%dma_start3A_10] : memref<100000xf32, #tpu.memory_space<hbm>> -> memref<100000xf32, #tpu.memory_space<hbm>>
    tpu.enqueue_indirect_dma source(%dma_start3A_11 : memref<100000xf32, #tpu.memory_space<hbm>>) target(%dma_start3A_6 : memref<512xf32, #tpu.memory_space<vmem>>) offsets(%arg5 : memref<512xi32, #tpu.memory_space<vmem>>) semaphore(%arg7 : memref<!tpu.dma_semaphore, #tpu.memory_space<semaphore_mem>>)
    %dma_start3A_12 = arith.constant 1 : i32
    %dma_start3A_13 = arith.constant 1 : i32
    %dma_start3A_14 = arith.constant 0 : i32
    %dma_start3A_15 = tpu.memref_slice %arg6[%dma_start3A_13, %dma_start3A_14] : memref<32x512xf32, #tpu.memory_space<vmem>> -> memref<1x512xf32, #tpu.memory_space<vmem>>
    %dma_start3A_16 = tpu.memref_squeeze %dma_start3A_15 : memref<1x512xf32, #tpu.memory_space<vmem>> -> memref<512xf32, #tpu.memory_space<vmem>>
    %dma_start3A_17 = arith.constant 0 : i32
    %dma_start3A_18 = tpu.memref_slice %arg3[%dma_start3A_12, %dma_start3A_17] : memref<32x100000xf32, #tpu.memory_space<hbm>> -> memref<1x100000xf32, #tpu.memory_space<hbm>>
    %dma_start3A_19 = tpu.memref_squeeze %dma_start3A_18 : memref<1x100000xf32, #tpu.memory_space<hbm>> -> memref<100000xf32, #tpu.memory_space<hbm>>
    %dma_start3A_20 = arith.constant 0 : i32
    %dma_start3A_21 = tpu.memref_slice %dma_start3A_19[%dma_start3A_20] : memref<100000xf32, #tpu.memory_space<hbm>> -> memref<100000xf32, #tpu.memory_space<hbm>>
    tpu.enqueue_indirect_dma source(%dma_start3A_21 : memref<100000xf32, #tpu.memory_space<hbm>>) target(%dma_start3A_16 : memref<512xf32, #tpu.memory_space<vmem>>) offsets(%arg5 : memref<512xi32, #tpu.memory_space<vmem>>) semaphore(%arg7 : memref<!tpu.dma_semaphore, #tpu.memory_space<semaphore_mem>>)
    %dma_start3A_22 = arith.constant 2 : i32
    %dma_start3A_23 = arith.constant 2 : i32
    %dma_start3A_24 = arith.constant 0 : i32
    %dma_start3A_25 = tpu.memref_slice %arg6[%dma_start3A_23, %dma_start3A_24] : memref<32x512xf32, #tpu.memory_space<vmem>> -> memref<1x512xf32, #tpu.memory_space<vmem>>
    %dma_start3A_26 = tpu.memref_squeeze %dma_start3A_25 : memref<1x512xf32, #tpu.memory_space<vmem>> -> memref<512xf32, #tpu.memory_space<vmem>>
    %dma_start3A_27 = arith.constant 0 : i32
    %dma_start3A_28 = tpu.memref_slice %arg3[%dma_start3A_22, %dma_start3A_27] : memref<32x100000xf32, #tpu.memory_space<hbm>> -> memref<1x100000xf32, #tpu.memory_space<hbm>>
    %dma_start3A_29 = tpu.memref_squeeze %dma_start3A_28 : memref<1x100000xf32, #tpu.memory_space<hbm>> -> memref<100000xf32, #tpu.memory_space<hbm>>
    %dma_start3A_30 = arith.constant 0 : i32
    %dma_start3A_31 = tpu.memref_slice %dma_start3A_29[%dma_start3A_30] : memref<100000xf32, #tpu.memory_space<hbm>> -> memref<100000xf32, #tpu.memory_space<hbm>>
    tpu.enqueue_indirect_dma source(%dma_start3A_31 : memref<100000xf32, #tpu.memory_space<hbm>>) target(%dma_start3A_26 : memref<512xf32, #tpu.memory_space<vmem>>) offsets(%arg5 : memref<512xi32, #tpu.memory_space<vmem>>) semaphore(%arg7 : memref<!tpu.dma_semaphore, #tpu.memory_space<semaphore_mem>>)
    %dma_start3A_32 = arith.constant 3 : i32
    %dma_start3A_33 = arith.constant 3 : i32
    %dma_start3A_34 = arith.constant 0 : i32
    %dma_start3A_35 = tpu.memref_slice %arg6[%dma_start3A_33, %dma_start3A_34] : memref<32x512xf32, #tpu.memory_space<vmem>> -> memref<1x512xf32, #tpu.memory_space<vmem>>
    %dma_start3A_36 = tpu.memref_squeeze %dma_start3A_35 : memref<1x512xf32, #tpu.memory_space<vmem>> -> memref<512xf32, #tpu.memory_space<vmem>>
    %dma_start3A_37 = arith.constant 0 : i32
    %dma_start3A_38 = tpu.memref_slice %arg3[%dma_start3A_32, %dma_start3A_37] : memref<32x100000xf32, #tpu.memory_space<hbm>> -> memref<1x100000xf32, #tpu.memory_space<hbm>>
    %dma_start3A_39 = tpu.memref_squeeze %dma_start3A_38 : memref<1x100000xf32, #tpu.memory_space<hbm>> -> memref<100000xf32, #tpu.memory_space<hbm>>
    %dma_start3A_40 = arith.constant 0 : i32
    %dma_start3A_41 = tpu.memref_slice %dma_start3A_39[%dma_start3A_40] : memref<100000xf32, #tpu.memory_space<hbm>> -> memref<100000xf32, #tpu.memory_space<hbm>>
    tpu.enqueue_indirect_dma source(%dma_start3A_41 : memref<100000xf32, #tpu.memory_space<hbm>>) target(%dma_start3A_36 : memref<512xf32, #tpu.memory_space<vmem>>) offsets(%arg5 : memref<512xi32, #tpu.memory_space<vmem>>) semaphore(%arg7 : memref<!tpu.dma_semaphore, #tpu.memory_space<semaphore_mem>>)
    %dma_start3A_42 = arith.constant 4 : i32
    %dma_start3A_43 = arith.constant 4 : i32
    %dma_start3A_44 = arith.constant 0 : i32
    %dma_start3A_45 = tpu.memref_slice %arg6[%dma_start3A_43, %dma_start3A_44] : memref<32x512xf32, #tpu.memory_space<vmem>> -> memref<1x512xf32, #tpu.memory_space<vmem>>
    %dma_start3A_46 = tpu.memref_squeeze %dma_start3A_45 : memref<1x512xf32, #tpu.memory_space<vmem>> -> memref<512xf32, #tpu.memory_space<vmem>>
    %dma_start3A_47 = arith.constant 0 : i32
    %dma_start3A_48 = tpu.memref_slice %arg3[%dma_start3A_42, %dma_start3A_47] : memref<32x100000xf32, #tpu.memory_space<hbm>> -> memref<1x100000xf32, #tpu.memory_space<hbm>>
    %dma_start3A_49 = tpu.memref_squeeze %dma_start3A_48 : memref<1x100000xf32, #tpu.memory_space<hbm>> -> memref<100000xf32, #tpu.memory_space<hbm>>
    %dma_start3A_50 = arith.constant 0 : i32
    %dma_start3A_51 = tpu.memref_slice %dma_start3A_49[%dma_start3A_50] : memref<100000xf32, #tpu.memory_space<hbm>> -> memref<100000xf32, #tpu.memory_space<hbm>>
    tpu.enqueue_indirect_dma source(%dma_start3A_51 : memref<100000xf32, #tpu.memory_space<hbm>>) target(%dma_start3A_46 : memref<512xf32, #tpu.memory_space<vmem>>) offsets(%arg5 : memref<512xi32, #tpu.memory_space<vmem>>) semaphore(%arg7 : memref<!tpu.dma_semaphore, #tpu.memory_space<semaphore_mem>>)
    %dma_start3A_52 = arith.constant 5 : i32
    %dma_start3A_53 = arith.constant 5 : i32
    %dma_start3A_54 = arith.constant 0 : i32
    %dma_start3A_55 = tpu.memref_slice %arg6[%dma_start3A_53, %dma_start3A_54] : memref<32x512xf32, #tpu.memory_space<vmem>> -> memref<1x512xf32, #tpu.memory_space<vmem>>
    %dma_start3A_56 = tpu.memref_squeeze %dma_start3A_55 : memref<1x512xf32, #tpu.memory_space<vmem>> -> memref<512xf32, #tpu.memory_space<vmem>>
    %dma_start3A_57 = arith.constant 0 : i32
    %dma_start3A_58 = tpu.memref_slice %arg3[%dma_start3A_52, %dma_start3A_57] : memref<32x100000xf32, #tpu.memory_space<hbm>> -> memref<1x100000xf32, #tpu.memory_space<hbm>>
    %dma_start3A_59 = tpu.memref_squeeze %dma_start3A_58 : memref<1x100000xf32, #tpu.memory_space<hbm>> -> memref<100000xf32, #tpu.memory_space<hbm>>
    %dma_start3A_60 = arith.constant 0 : i32
    %dma_start3A_61 = tpu.memref_slice %dma_start3A_59[%dma_start3A_60] : memref<100000xf32, #tpu.memory_space<hbm>> -> memref<100000xf32, #tpu.memory_space<hbm>>
    tpu.enqueue_indirect_dma source(%dma_start3A_61 : memref<100000xf32, #tpu.memory_space<hbm>>) target(%dma_start3A_56 : memref<512xf32, #tpu.memory_space<vmem>>) offsets(%arg5 : memref<512xi32, #tpu.memory_space<vmem>>) semaphore(%arg7 : memref<!tpu.dma_semaphore, #tpu.memory_space<semaphore_mem>>)
    %dma_start3A_62 = arith.constant 6 : i32
    %dma_start3A_63 = arith.constant 6 : i32
    %dma_start3A_64 = arith.constant 0 : i32
    %dma_start3A_65 = tpu.memref_slice %arg6[%dma_start3A_63, %dma_start3A_64] : memref<32x512xf32, #tpu.memory_space<vmem>> -> memref<1x512xf32, #tpu.memory_space<vmem>>
    %dma_start3A_66 = tpu.memref_squeeze %dma_start3A_65 : memref<1x512xf32, #tpu.memory_space<vmem>> -> memref<512xf32, #tpu.memory_space<vmem>>
    %dma_start3A_67 = arith.constant 0 : i32
    %dma_start3A_68 = tpu.memref_slice %arg3[%dma_start3A_62, %dma_start3A_67] : memref<32x100000xf32, #tpu.memory_space<hbm>> -> memref<1x100000xf32, #tpu.memory_space<hbm>>
    %dma_start3A_69 = tpu.memref_squeeze %dma_start3A_68 : memref<1x100000xf32, #tpu.memory_space<hbm>> -> memref<100000xf32, #tpu.memory_space<hbm>>
    %dma_start3A_70 = arith.constant 0 : i32
    %dma_start3A_71 = tpu.memref_slice %dma_start3A_69[%dma_start3A_70] : memref<100000xf32, #tpu.memory_space<hbm>> -> memref<100000xf32, #tpu.memory_space<hbm>>
    tpu.enqueue_indirect_dma source(%dma_start3A_71 : memref<100000xf32, #tpu.memory_space<hbm>>) target(%dma_start3A_66 : memref<512xf32, #tpu.memory_space<vmem>>) offsets(%arg5 : memref<512xi32, #tpu.memory_space<vmem>>) semaphore(%arg7 : memref<!tpu.dma_semaphore, #tpu.memory_space<semaphore_mem>>)
    %dma_start3A_72 = arith.constant 7 : i32
    %dma_start3A_73 = arith.constant 7 : i32
    %dma_start3A_74 = arith.constant 0 : i32
    %dma_start3A_75 = tpu.memref_slice %arg6[%dma_start3A_73, %dma_start3A_74] : memref<32x512xf32, #tpu.memory_space<vmem>> -> memref<1x512xf32, #tpu.memory_space<vmem>>
    %dma_start3A_76 = tpu.memref_squeeze %dma_start3A_75 : memref<1x512xf32, #tpu.memory_space<vmem>> -> memref<512xf32, #tpu.memory_space<vmem>>
    %dma_start3A_77 = arith.constant 0 : i32
    %dma_start3A_78 = tpu.memref_slice %arg3[%dma_start3A_72, %dma_start3A_77] : memref<32x100000xf32, #tpu.memory_space<hbm>> -> memref<1x100000xf32, #tpu.memory_space<hbm>>
    %dma_start3A_79 = tpu.memref_squeeze %dma_start3A_78 : memref<1x100000xf32, #tpu.memory_space<hbm>> -> memref<100000xf32, #tpu.memory_space<hbm>>
    %dma_start3A_80 = arith.constant 0 : i32
    %dma_start3A_81 = tpu.memref_slice %dma_start3A_79[%dma_start3A_80] : memref<100000xf32, #tpu.memory_space<hbm>> -> memref<100000xf32, #tpu.memory_space<hbm>>
    tpu.enqueue_indirect_dma source(%dma_start3A_81 : memref<100000xf32, #tpu.memory_space<hbm>>) target(%dma_start3A_76 : memref<512xf32, #tpu.memory_space<vmem>>) offsets(%arg5 : memref<512xi32, #tpu.memory_space<vmem>>) semaphore(%arg7 : memref<!tpu.dma_semaphore, #tpu.memory_space<semaphore_mem>>)
    %dma_start3A_82 = arith.constant 8 : i32
    %dma_start3A_83 = arith.constant 8 : i32
    %dma_start3A_84 = arith.constant 0 : i32
    %dma_start3A_85 = tpu.memref_slice %arg6[%dma_start3A_83, %dma_start3A_84] : memref<32x512xf32, #tpu.memory_space<vmem>> -> memref<1x512xf32, #tpu.memory_space<vmem>>
    %dma_start3A_86 = tpu.memref_squeeze %dma_start3A_85 : memref<1x512xf32, #tpu.memory_space<vmem>> -> memref<512xf32, #tpu.memory_space<vmem>>
    %dma_start3A_87 = arith.constant 0 : i32
    %dma_start3A_88 = tpu.memref_slice %arg3[%dma_start3A_82, %dma_start3A_87] : memref<32x100000xf32, #tpu.memory_space<hbm>> -> memref<1x100000xf32, #tpu.memory_space<hbm>>
    %dma_start3A_89 = tpu.memref_squeeze %dma_start3A_88 : memref<1x100000xf32, #tpu.memory_space<hbm>> -> memref<100000xf32, #tpu.memory_space<hbm>>
    %dma_start3A_90 = arith.constant 0 : i32
    %dma_start3A_91 = tpu.memref_slice %dma_start3A_89[%dma_start3A_90] : memref<100000xf32, #tpu.memory_space<hbm>> -> memref<100000xf32, #tpu.memory_space<hbm>>
    tpu.enqueue_indirect_dma source(%dma_start3A_91 : memref<100000xf32, #tpu.memory_space<hbm>>) target(%dma_start3A_86 : memref<512xf32, #tpu.memory_space<vmem>>) offsets(%arg5 : memref<512xi32, #tpu.memory_space<vmem>>) semaphore(%arg7 : memref<!tpu.dma_semaphore, #tpu.memory_space<semaphore_mem>>)
    %dma_start3A_92 = arith.constant 9 : i32
    %dma_start3A_93 = arith.constant 9 : i32
    %dma_start3A_94 = arith.constant 0 : i32
    %dma_start3A_95 = tpu.memref_slice %arg6[%dma_start3A_93, %dma_start3A_94] : memref<32x512xf32, #tpu.memory_space<vmem>> -> memref<1x512xf32, #tpu.memory_space<vmem>>
    %dma_start3A_96 = tpu.memref_squeeze %dma_start3A_95 : memref<1x512xf32, #tpu.memory_space<vmem>> -> memref<512xf32, #tpu.memory_space<vmem>>
    %dma_start3A_97 = arith.constant 0 : i32
    %dma_start3A_98 = tpu.memref_slice %arg3[%dma_start3A_92, %dma_start3A_97] : memref<32x100000xf32, #tpu.memory_space<hbm>> -> memref<1x100000xf32, #tpu.memory_space<hbm>>
    %dma_start3A_99 = tpu.memref_squeeze %dma_start3A_98 : memref<1x100000xf32, #tpu.memory_space<hbm>> -> memref<100000xf32, #tpu.memory_space<hbm>>
    %dma_start3A_100 = arith.constant 0 : i32
    %dma_start3A_101 = tpu.memref_slice %dma_start3A_99[%dma_start3A_100] : memref<100000xf32, #tpu.memory_space<hbm>> -> memref<100000xf32, #tpu.memory_space<hbm>>
    tpu.enqueue_indirect_dma source(%dma_start3A_101 : memref<100000xf32, #tpu.memory_space<hbm>>) target(%dma_start3A_96 : memref<512xf32, #tpu.memory_space<vmem>>) offsets(%arg5 : memref<512xi32, #tpu.memory_space<vmem>>) semaphore(%arg7 : memref<!tpu.dma_semaphore, #tpu.memory_space<semaphore_mem>>)
    %dma_start3A_102 = arith.constant 10 : i32
    %dma_start3A_103 = arith.constant 10 : i32
    %dma_start3A_104 = arith.constant 0 : i32
    %dma_start3A_105 = tpu.memref_slice %arg6[%dma_start3A_103, %dma_start3A_104] : memref<32x512xf32, #tpu.memory_space<vmem>> -> memref<1x512xf32, #tpu.memory_space<vmem>>
    %dma_start3A_106 = tpu.memref_squeeze %dma_start3A_105 : memref<1x512xf32, #tpu.memory_space<vmem>> -> memref<512xf32, #tpu.memory_space<vmem>>
    %dma_start3A_107 = arith.constant 0 : i32
    %dma_start3A_108 = tpu.memref_slice %arg3[%dma_start3A_102, %dma_start3A_107] : memref<32x100000xf32, #tpu.memory_space<hbm>> -> memref<1x100000xf32, #tpu.memory_space<hbm>>
    %dma_start3A_109 = tpu.memref_squeeze %dma_start3A_108 : memref<1x100000xf32, #tpu.memory_space<hbm>> -> memref<100000xf32, #tpu.memory_space<hbm>>
    %dma_start3A_110 = arith.constant 0 : i32
    %dma_start3A_111 = tpu.memref_slice %dma_start3A_109[%dma_start3A_110] : memref<100000xf32, #tpu.memory_space<hbm>> -> memref<100000xf32, #tpu.memory_space<hbm>>
    tpu.enqueue_indirect_dma source(%dma_start3A_111 : memref<100000xf32, #tpu.memory_space<hbm>>) target(%dma_start3A_106 : memref<512xf32, #tpu.memory_space<vmem>>) offsets(%arg5 : memref<512xi32, #tpu.memory_space<vmem>>) semaphore(%arg7 : memref<!tpu.dma_semaphore, #tpu.memory_space<semaphore_mem>>)
    %dma_start3A_112 = arith.constant 11 : i32
    %dma_start3A_113 = arith.constant 11 : i32
    %dma_start3A_114 = arith.constant 0 : i32
    %dma_start3A_115 = tpu.memref_slice %arg6[%dma_start3A_113, %dma_start3A_114] : memref<32x512xf32, #tpu.memory_space<vmem>> -> memref<1x512xf32, #tpu.memory_space<vmem>>
    %dma_start3A_116 = tpu.memref_squeeze %dma_start3A_115 : memref<1x512xf32, #tpu.memory_space<vmem>> -> memref<512xf32, #tpu.memory_space<vmem>>
    %dma_start3A_117 = arith.constant 0 : i32
    %dma_start3A_118 = tpu.memref_slice %arg3[%dma_start3A_112, %dma_start3A_117] : memref<32x100000xf32, #tpu.memory_space<hbm>> -> memref<1x100000xf32, #tpu.memory_space<hbm>>
    %dma_start3A_119 = tpu.memref_squeeze %dma_start3A_118 : memref<1x100000xf32, #tpu.memory_space<hbm>> -> memref<100000xf32, #tpu.memory_space<hbm>>
    %dma_start3A_120 = arith.constant 0 : i32
    %dma_start3A_121 = tpu.memref_slice %dma_start3A_119[%dma_start3A_120] : memref<100000xf32, #tpu.memory_space<hbm>> -> memref<100000xf32, #tpu.memory_space<hbm>>
    tpu.enqueue_indirect_dma source(%dma_start3A_121 : memref<100000xf32, #tpu.memory_space<hbm>>) target(%dma_start3A_116 : memref<512xf32, #tpu.memory_space<vmem>>) offsets(%arg5 : memref<512xi32, #tpu.memory_space<vmem>>) semaphore(%arg7 : memref<!tpu.dma_semaphore, #tpu.memory_space<semaphore_mem>>)
    %dma_start3A_122 = arith.constant 12 : i32
    %dma_start3A_123 = arith.constant 12 : i32
    %dma_start3A_124 = arith.constant 0 : i32
    %dma_start3A_125 = tpu.memref_slice %arg6[%dma_start3A_123, %dma_start3A_124] : memref<32x512xf32, #tpu.memory_space<vmem>> -> memref<1x512xf32, #tpu.memory_space<vmem>>
    %dma_start3A_126 = tpu.memref_squeeze %dma_start3A_125 : memref<1x512xf32, #tpu.memory_space<vmem>> -> memref<512xf32, #tpu.memory_space<vmem>>
    %dma_start3A_127 = arith.constant 0 : i32
    %dma_start3A_128 = tpu.memref_slice %arg3[%dma_start3A_122, %dma_start3A_127] : memref<32x100000xf32, #tpu.memory_space<hbm>> -> memref<1x100000xf32, #tpu.memory_space<hbm>>
    %dma_start3A_129 = tpu.memref_squeeze %dma_start3A_128 : memref<1x100000xf32, #tpu.memory_space<hbm>> -> memref<100000xf32, #tpu.memory_space<hbm>>
    %dma_start3A_130 = arith.constant 0 : i32
    %dma_start3A_131 = tpu.memref_slice %dma_start3A_129[%dma_start3A_130] : memref<100000xf32, #tpu.memory_space<hbm>> -> memref<100000xf32, #tpu.memory_space<hbm>>
    tpu.enqueue_indirect_dma source(%dma_start3A_131 : memref<100000xf32, #tpu.memory_space<hbm>>) target(%dma_start3A_126 : memref<512xf32, #tpu.memory_space<vmem>>) offsets(%arg5 : memref<512xi32, #tpu.memory_space<vmem>>) semaphore(%arg7 : memref<!tpu.dma_semaphore, #tpu.memory_space<semaphore_mem>>)
    %dma_start3A_132 = arith.constant 13 : i32
    %dma_start3A_133 = arith.constant 13 : i32
    %dma_start3A_134 = arith.constant 0 : i32
    %dma_start3A_135 = tpu.memref_slice %arg6[%dma_start3A_133, %dma_start3A_134] : memref<32x512xf32, #tpu.memory_space<vmem>> -> memref<1x512xf32, #tpu.memory_space<vmem>>
    %dma_start3A_136 = tpu.memref_squeeze %dma_start3A_135 : memref<1x512xf32, #tpu.memory_space<vmem>> -> memref<512xf32, #tpu.memory_space<vmem>>
    %dma_start3A_137 = arith.constant 0 : i32
    %dma_start3A_138 = tpu.memref_slice %arg3[%dma_start3A_132, %dma_start3A_137] : memref<32x100000xf32, #tpu.memory_space<hbm>> -> memref<1x100000xf32, #tpu.memory_space<hbm>>
    %dma_start3A_139 = tpu.memref_squeeze %dma_start3A_138 : memref<1x100000xf32, #tpu.memory_space<hbm>> -> memref<100000xf32, #tpu.memory_space<hbm>>
    %dma_start3A_140 = arith.constant 0 : i32
    %dma_start3A_141 = tpu.memref_slice %dma_start3A_139[%dma_start3A_140] : memref<100000xf32, #tpu.memory_space<hbm>> -> memref<100000xf32, #tpu.memory_space<hbm>>
    tpu.enqueue_indirect_dma source(%dma_start3A_141 : memref<100000xf32, #tpu.memory_space<hbm>>) target(%dma_start3A_136 : memref<512xf32, #tpu.memory_space<vmem>>) offsets(%arg5 : memref<512xi32, #tpu.memory_space<vmem>>) semaphore(%arg7 : memref<!tpu.dma_semaphore, #tpu.memory_space<semaphore_mem>>)
    %dma_start3A_142 = arith.constant 14 : i32
    %dma_start3A_143 = arith.constant 14 : i32
    %dma_start3A_144 = arith.constant 0 : i32
    %dma_start3A_145 = tpu.memref_slice %arg6[%dma_start3A_143, %dma_start3A_144] : memref<32x512xf32, #tpu.memory_space<vmem>> -> memref<1x512xf32, #tpu.memory_space<vmem>>
    %dma_start3A_146 = tpu.memref_squeeze %dma_start3A_145 : memref<1x512xf32, #tpu.memory_space<vmem>> -> memref<512xf32, #tpu.memory_space<vmem>>
    %dma_start3A_147 = arith.constant 0 : i32
    %dma_start3A_148 = tpu.memref_slice %arg3[%dma_start3A_142, %dma_start3A_147] : memref<32x100000xf32, #tpu.memory_space<hbm>> -> memref<1x100000xf32, #tpu.memory_space<hbm>>
    %dma_start3A_149 = tpu.memref_squeeze %dma_start3A_148 : memref<1x100000xf32, #tpu.memory_space<hbm>> -> memref<100000xf32, #tpu.memory_space<hbm>>
    %dma_start3A_150 = arith.constant 0 : i32
    %dma_start3A_151 = tpu.memref_slice %dma_start3A_149[%dma_start3A_150] : memref<100000xf32, #tpu.memory_space<hbm>> -> memref<100000xf32, #tpu.memory_space<hbm>>
    tpu.enqueue_indirect_dma source(%dma_start3A_151 : memref<100000xf32, #tpu.memory_space<hbm>>) target(%dma_start3A_146 : memref<512xf32, #tpu.memory_space<vmem>>) offsets(%arg5 : memref<512xi32, #tpu.memory_space<vmem>>) semaphore(%arg7 : memref<!tpu.dma_semaphore, #tpu.memory_space<semaphore_mem>>)
    %dma_start3A_152 = arith.constant 15 : i32
    %dma_start3A_153 = arith.constant 15 : i32
    %dma_start3A_154 = arith.constant 0 : i32
    %dma_start3A_155 = tpu.memref_slice %arg6[%dma_start3A_153, %dma_start3A_154] : memref<32x512xf32, #tpu.memory_space<vmem>> -> memref<1x512xf32, #tpu.memory_space<vmem>>
    %dma_start3A_156 = tpu.memref_squeeze %dma_start3A_155 : memref<1x512xf32, #tpu.memory_space<vmem>> -> memref<512xf32, #tpu.memory_space<vmem>>
    %dma_start3A_157 = arith.constant 0 : i32
    %dma_start3A_158 = tpu.memref_slice %arg3[%dma_start3A_152, %dma_start3A_157] : memref<32x100000xf32, #tpu.memory_space<hbm>> -> memref<1x100000xf32, #tpu.memory_space<hbm>>
    %dma_start3A_159 = tpu.memref_squeeze %dma_start3A_158 : memref<1x100000xf32, #tpu.memory_space<hbm>> -> memref<100000xf32, #tpu.memory_space<hbm>>
    %dma_start3A_160 = arith.constant 0 : i32
    %dma_start3A_161 = tpu.memref_slice %dma_start3A_159[%dma_start3A_160] : memref<100000xf32, #tpu.memory_space<hbm>> -> memref<100000xf32, #tpu.memory_space<hbm>>
    tpu.enqueue_indirect_dma source(%dma_start3A_161 : memref<100000xf32, #tpu.memory_space<hbm>>) target(%dma_start3A_156 : memref<512xf32, #tpu.memory_space<vmem>>) offsets(%arg5 : memref<512xi32, #tpu.memory_space<vmem>>) semaphore(%arg7 : memref<!tpu.dma_semaphore, #tpu.memory_space<semaphore_mem>>)
    %dma_start3A_162 = arith.constant 16 : i32
    %dma_start3A_163 = arith.constant 16 : i32
    %dma_start3A_164 = arith.constant 0 : i32
    %dma_start3A_165 = tpu.memref_slice %arg6[%dma_start3A_163, %dma_start3A_164] : memref<32x512xf32, #tpu.memory_space<vmem>> -> memref<1x512xf32, #tpu.memory_space<vmem>>
    %dma_start3A_166 = tpu.memref_squeeze %dma_start3A_165 : memref<1x512xf32, #tpu.memory_space<vmem>> -> memref<512xf32, #tpu.memory_space<vmem>>
    %dma_start3A_167 = arith.constant 0 : i32
    %dma_start3A_168 = tpu.memref_slice %arg3[%dma_start3A_162, %dma_start3A_167] : memref<32x100000xf32, #tpu.memory_space<hbm>> -> memref<1x100000xf32, #tpu.memory_space<hbm>>
    %dma_start3A_169 = tpu.memref_squeeze %dma_start3A_168 : memref<1x100000xf32, #tpu.memory_space<hbm>> -> memref<100000xf32, #tpu.memory_space<hbm>>
    %dma_start3A_170 = arith.constant 0 : i32
    %dma_start3A_171 = tpu.memref_slice %dma_start3A_169[%dma_start3A_170] : memref<100000xf32, #tpu.memory_space<hbm>> -> memref<100000xf32, #tpu.memory_space<hbm>>
    tpu.enqueue_indirect_dma source(%dma_start3A_171 : memref<100000xf32, #tpu.memory_space<hbm>>) target(%dma_start3A_166 : memref<512xf32, #tpu.memory_space<vmem>>) offsets(%arg5 : memref<512xi32, #tpu.memory_space<vmem>>) semaphore(%arg7 : memref<!tpu.dma_semaphore, #tpu.memory_space<semaphore_mem>>)
    %dma_start3A_172 = arith.constant 17 : i32
    %dma_start3A_173 = arith.constant 17 : i32
    %dma_start3A_174 = arith.constant 0 : i32
    %dma_start3A_175 = tpu.memref_slice %arg6[%dma_start3A_173, %dma_start3A_174] : memref<32x512xf32, #tpu.memory_space<vmem>> -> memref<1x512xf32, #tpu.memory_space<vmem>>
    %dma_start3A_176 = tpu.memref_squeeze %dma_start3A_175 : memref<1x512xf32, #tpu.memory_space<vmem>> -> memref<512xf32, #tpu.memory_space<vmem>>
    %dma_start3A_177 = arith.constant 0 : i32
    %dma_start3A_178 = tpu.memref_slice %arg3[%dma_start3A_172, %dma_start3A_177] : memref<32x100000xf32, #tpu.memory_space<hbm>> -> memref<1x100000xf32, #tpu.memory_space<hbm>>
    %dma_start3A_179 = tpu.memref_squeeze %dma_start3A_178 : memref<1x100000xf32, #tpu.memory_space<hbm>> -> memref<100000xf32, #tpu.memory_space<hbm>>
    %dma_start3A_180 = arith.constant 0 : i32
    %dma_start3A_181 = tpu.memref_slice %dma_start3A_179[%dma_start3A_180] : memref<100000xf32, #tpu.memory_space<hbm>> -> memref<100000xf32, #tpu.memory_space<hbm>>
    tpu.enqueue_indirect_dma source(%dma_start3A_181 : memref<100000xf32, #tpu.memory_space<hbm>>) target(%dma_start3A_176 : memref<512xf32, #tpu.memory_space<vmem>>) offsets(%arg5 : memref<512xi32, #tpu.memory_space<vmem>>) semaphore(%arg7 : memref<!tpu.dma_semaphore, #tpu.memory_space<semaphore_mem>>)
    %dma_start3A_182 = arith.constant 18 : i32
    %dma_start3A_183 = arith.constant 18 : i32
    %dma_start3A_184 = arith.constant 0 : i32
    %dma_start3A_185 = tpu.memref_slice %arg6[%dma_start3A_183, %dma_start3A_184] : memref<32x512xf32, #tpu.memory_space<vmem>> -> memref<1x512xf32, #tpu.memory_space<vmem>>
    %dma_start3A_186 = tpu.memref_squeeze %dma_start3A_185 : memref<1x512xf32, #tpu.memory_space<vmem>> -> memref<512xf32, #tpu.memory_space<vmem>>
    %dma_start3A_187 = arith.constant 0 : i32
    %dma_start3A_188 = tpu.memref_slice %arg3[%dma_start3A_182, %dma_start3A_187] : memref<32x100000xf32, #tpu.memory_space<hbm>> -> memref<1x100000xf32, #tpu.memory_space<hbm>>
    %dma_start3A_189 = tpu.memref_squeeze %dma_start3A_188 : memref<1x100000xf32, #tpu.memory_space<hbm>> -> memref<100000xf32, #tpu.memory_space<hbm>>
    %dma_start3A_190 = arith.constant 0 : i32
    %dma_start3A_191 = tpu.memref_slice %dma_start3A_189[%dma_start3A_190] : memref<100000xf32, #tpu.memory_space<hbm>> -> memref<100000xf32, #tpu.memory_space<hbm>>
    tpu.enqueue_indirect_dma source(%dma_start3A_191 : memref<100000xf32, #tpu.memory_space<hbm>>) target(%dma_start3A_186 : memref<512xf32, #tpu.memory_space<vmem>>) offsets(%arg5 : memref<512xi32, #tpu.memory_space<vmem>>) semaphore(%arg7 : memref<!tpu.dma_semaphore, #tpu.memory_space<semaphore_mem>>)
    %dma_start3A_192 = arith.constant 19 : i32
    %dma_start3A_193 = arith.constant 19 : i32
    %dma_start3A_194 = arith.constant 0 : i32
    %dma_start3A_195 = tpu.memref_slice %arg6[%dma_start3A_193, %dma_start3A_194] : memref<32x512xf32, #tpu.memory_space<vmem>> -> memref<1x512xf32, #tpu.memory_space<vmem>>
    %dma_start3A_196 = tpu.memref_squeeze %dma_start3A_195 : memref<1x512xf32, #tpu.memory_space<vmem>> -> memref<512xf32, #tpu.memory_space<vmem>>
    %dma_start3A_197 = arith.constant 0 : i32
    %dma_start3A_198 = tpu.memref_slice %arg3[%dma_start3A_192, %dma_start3A_197] : memref<32x100000xf32, #tpu.memory_space<hbm>> -> memref<1x100000xf32, #tpu.memory_space<hbm>>
    %dma_start3A_199 = tpu.memref_squeeze %dma_start3A_198 : memref<1x100000xf32, #tpu.memory_space<hbm>> -> memref<100000xf32, #tpu.memory_space<hbm>>
    %dma_start3A_200 = arith.constant 0 : i32
    %dma_start3A_201 = tpu.memref_slice %dma_start3A_199[%dma_start3A_200] : memref<100000xf32, #tpu.memory_space<hbm>> -> memref<100000xf32, #tpu.memory_space<hbm>>
    tpu.enqueue_indirect_dma source(%dma_start3A_201 : memref<100000xf32, #tpu.memory_space<hbm>>) target(%dma_start3A_196 : memref<512xf32, #tpu.memory_space<vmem>>) offsets(%arg5 : memref<512xi32, #tpu.memory_space<vmem>>) semaphore(%arg7 : memref<!tpu.dma_semaphore, #tpu.memory_space<semaphore_mem>>)
    %dma_start3A_202 = arith.constant 20 : i32
    %dma_start3A_203 = arith.constant 20 : i32
    %dma_start3A_204 = arith.constant 0 : i32
    %dma_start3A_205 = tpu.memref_slice %arg6[%dma_start3A_203, %dma_start3A_204] : memref<32x512xf32, #tpu.memory_space<vmem>> -> memref<1x512xf32, #tpu.memory_space<vmem>>
    %dma_start3A_206 = tpu.memref_squeeze %dma_start3A_205 : memref<1x512xf32, #tpu.memory_space<vmem>> -> memref<512xf32, #tpu.memory_space<vmem>>
    %dma_start3A_207 = arith.constant 0 : i32
    %dma_start3A_208 = tpu.memref_slice %arg3[%dma_start3A_202, %dma_start3A_207] : memref<32x100000xf32, #tpu.memory_space<hbm>> -> memref<1x100000xf32, #tpu.memory_space<hbm>>
    %dma_start3A_209 = tpu.memref_squeeze %dma_start3A_208 : memref<1x100000xf32, #tpu.memory_space<hbm>> -> memref<100000xf32, #tpu.memory_space<hbm>>
    %dma_start3A_210 = arith.constant 0 : i32
    %dma_start3A_211 = tpu.memref_slice %dma_start3A_209[%dma_start3A_210] : memref<100000xf32, #tpu.memory_space<hbm>> -> memref<100000xf32, #tpu.memory_space<hbm>>
    tpu.enqueue_indirect_dma source(%dma_start3A_211 : memref<100000xf32, #tpu.memory_space<hbm>>) target(%dma_start3A_206 : memref<512xf32, #tpu.memory_space<vmem>>) offsets(%arg5 : memref<512xi32, #tpu.memory_space<vmem>>) semaphore(%arg7 : memref<!tpu.dma_semaphore, #tpu.memory_space<semaphore_mem>>)
    %dma_start3A_212 = arith.constant 21 : i32
    %dma_start3A_213 = arith.constant 21 : i32
    %dma_start3A_214 = arith.constant 0 : i32
    %dma_start3A_215 = tpu.memref_slice %arg6[%dma_start3A_213, %dma_start3A_214] : memref<32x512xf32, #tpu.memory_space<vmem>> -> memref<1x512xf32, #tpu.memory_space<vmem>>
    %dma_start3A_216 = tpu.memref_squeeze %dma_start3A_215 : memref<1x512xf32, #tpu.memory_space<vmem>> -> memref<512xf32, #tpu.memory_space<vmem>>
    %dma_start3A_217 = arith.constant 0 : i32
    %dma_start3A_218 = tpu.memref_slice %arg3[%dma_start3A_212, %dma_start3A_217] : memref<32x100000xf32, #tpu.memory_space<hbm>> -> memref<1x100000xf32, #tpu.memory_space<hbm>>
    %dma_start3A_219 = tpu.memref_squeeze %dma_start3A_218 : memref<1x100000xf32, #tpu.memory_space<hbm>> -> memref<100000xf32, #tpu.memory_space<hbm>>
    %dma_start3A_220 = arith.constant 0 : i32
    %dma_start3A_221 = tpu.memref_slice %dma_start3A_219[%dma_start3A_220] : memref<100000xf32, #tpu.memory_space<hbm>> -> memref<100000xf32, #tpu.memory_space<hbm>>
    tpu.enqueue_indirect_dma source(%dma_start3A_221 : memref<100000xf32, #tpu.memory_space<hbm>>) target(%dma_start3A_216 : memref<512xf32, #tpu.memory_space<vmem>>) offsets(%arg5 : memref<512xi32, #tpu.memory_space<vmem>>) semaphore(%arg7 : memref<!tpu.dma_semaphore, #tpu.memory_space<semaphore_mem>>)
    %dma_start3A_222 = arith.constant 22 : i32
    %dma_start3A_223 = arith.constant 22 : i32
    %dma_start3A_224 = arith.constant 0 : i32
    %dma_start3A_225 = tpu.memref_slice %arg6[%dma_start3A_223, %dma_start3A_224] : memref<32x512xf32, #tpu.memory_space<vmem>> -> memref<1x512xf32, #tpu.memory_space<vmem>>
    %dma_start3A_226 = tpu.memref_squeeze %dma_start3A_225 : memref<1x512xf32, #tpu.memory_space<vmem>> -> memref<512xf32, #tpu.memory_space<vmem>>
    %dma_start3A_227 = arith.constant 0 : i32
    %dma_start3A_228 = tpu.memref_slice %arg3[%dma_start3A_222, %dma_start3A_227] : memref<32x100000xf32, #tpu.memory_space<hbm>> -> memref<1x100000xf32, #tpu.memory_space<hbm>>
    %dma_start3A_229 = tpu.memref_squeeze %dma_start3A_228 : memref<1x100000xf32, #tpu.memory_space<hbm>> -> memref<100000xf32, #tpu.memory_space<hbm>>
    %dma_start3A_230 = arith.constant 0 : i32
    %dma_start3A_231 = tpu.memref_slice %dma_start3A_229[%dma_start3A_230] : memref<100000xf32, #tpu.memory_space<hbm>> -> memref<100000xf32, #tpu.memory_space<hbm>>
    tpu.enqueue_indirect_dma source(%dma_start3A_231 : memref<100000xf32, #tpu.memory_space<hbm>>) target(%dma_start3A_226 : memref<512xf32, #tpu.memory_space<vmem>>) offsets(%arg5 : memref<512xi32, #tpu.memory_space<vmem>>) semaphore(%arg7 : memref<!tpu.dma_semaphore, #tpu.memory_space<semaphore_mem>>)
    %dma_start3A_232 = arith.constant 23 : i32
    %dma_start3A_233 = arith.constant 23 : i32
    %dma_start3A_234 = arith.constant 0 : i32
    %dma_start3A_235 = tpu.memref_slice %arg6[%dma_start3A_233, %dma_start3A_234] : memref<32x512xf32, #tpu.memory_space<vmem>> -> memref<1x512xf32, #tpu.memory_space<vmem>>
    %dma_start3A_236 = tpu.memref_squeeze %dma_start3A_235 : memref<1x512xf32, #tpu.memory_space<vmem>> -> memref<512xf32, #tpu.memory_space<vmem>>
    %dma_start3A_237 = arith.constant 0 : i32
    %dma_start3A_238 = tpu.memref_slice %arg3[%dma_start3A_232, %dma_start3A_237] : memref<32x100000xf32, #tpu.memory_space<hbm>> -> memref<1x100000xf32, #tpu.memory_space<hbm>>
    %dma_start3A_239 = tpu.memref_squeeze %dma_start3A_238 : memref<1x100000xf32, #tpu.memory_space<hbm>> -> memref<100000xf32, #tpu.memory_space<hbm>>
    %dma_start3A_240 = arith.constant 0 : i32
    %dma_start3A_241 = tpu.memref_slice %dma_start3A_239[%dma_start3A_240] : memref<100000xf32, #tpu.memory_space<hbm>> -> memref<100000xf32, #tpu.memory_space<hbm>>
    tpu.enqueue_indirect_dma source(%dma_start3A_241 : memref<100000xf32, #tpu.memory_space<hbm>>) target(%dma_start3A_236 : memref<512xf32, #tpu.memory_space<vmem>>) offsets(%arg5 : memref<512xi32, #tpu.memory_space<vmem>>) semaphore(%arg7 : memref<!tpu.dma_semaphore, #tpu.memory_space<semaphore_mem>>)
    %dma_start3A_242 = arith.constant 24 : i32
    %dma_start3A_243 = arith.constant 24 : i32
    %dma_start3A_244 = arith.constant 0 : i32
    %dma_start3A_245 = tpu.memref_slice %arg6[%dma_start3A_243, %dma_start3A_244] : memref<32x512xf32, #tpu.memory_space<vmem>> -> memref<1x512xf32, #tpu.memory_space<vmem>>
    %dma_start3A_246 = tpu.memref_squeeze %dma_start3A_245 : memref<1x512xf32, #tpu.memory_space<vmem>> -> memref<512xf32, #tpu.memory_space<vmem>>
    %dma_start3A_247 = arith.constant 0 : i32
    %dma_start3A_248 = tpu.memref_slice %arg3[%dma_start3A_242, %dma_start3A_247] : memref<32x100000xf32, #tpu.memory_space<hbm>> -> memref<1x100000xf32, #tpu.memory_space<hbm>>
    %dma_start3A_249 = tpu.memref_squeeze %dma_start3A_248 : memref<1x100000xf32, #tpu.memory_space<hbm>> -> memref<100000xf32, #tpu.memory_space<hbm>>
    %dma_start3A_250 = arith.constant 0 : i32
    %dma_start3A_251 = tpu.memref_slice %dma_start3A_249[%dma_start3A_250] : memref<100000xf32, #tpu.memory_space<hbm>> -> memref<100000xf32, #tpu.memory_space<hbm>>
    tpu.enqueue_indirect_dma source(%dma_start3A_251 : memref<100000xf32, #tpu.memory_space<hbm>>) target(%dma_start3A_246 : memref<512xf32, #tpu.memory_space<vmem>>) offsets(%arg5 : memref<512xi32, #tpu.memory_space<vmem>>) semaphore(%arg7 : memref<!tpu.dma_semaphore, #tpu.memory_space<semaphore_mem>>)
    %dma_start3A_252 = arith.constant 25 : i32
    %dma_start3A_253 = arith.constant 25 : i32
    %dma_start3A_254 = arith.constant 0 : i32
    %dma_start3A_255 = tpu.memref_slice %arg6[%dma_start3A_253, %dma_start3A_254] : memref<32x512xf32, #tpu.memory_space<vmem>> -> memref<1x512xf32, #tpu.memory_space<vmem>>
    %dma_start3A_256 = tpu.memref_squeeze %dma_start3A_255 : memref<1x512xf32, #tpu.memory_space<vmem>> -> memref<512xf32, #tpu.memory_space<vmem>>
    %dma_start3A_257 = arith.constant 0 : i32
    %dma_start3A_258 = tpu.memref_slice %arg3[%dma_start3A_252, %dma_start3A_257] : memref<32x100000xf32, #tpu.memory_space<hbm>> -> memref<1x100000xf32, #tpu.memory_space<hbm>>
    %dma_start3A_259 = tpu.memref_squeeze %dma_start3A_258 : memref<1x100000xf32, #tpu.memory_space<hbm>> -> memref<100000xf32, #tpu.memory_space<hbm>>
    %dma_start3A_260 = arith.constant 0 : i32
    %dma_start3A_261 = tpu.memref_slice %dma_start3A_259[%dma_start3A_260] : memref<100000xf32, #tpu.memory_space<hbm>> -> memref<100000xf32, #tpu.memory_space<hbm>>
    tpu.enqueue_indirect_dma source(%dma_start3A_261 : memref<100000xf32, #tpu.memory_space<hbm>>) target(%dma_start3A_256 : memref<512xf32, #tpu.memory_space<vmem>>) offsets(%arg5 : memref<512xi32, #tpu.memory_space<vmem>>) semaphore(%arg7 : memref<!tpu.dma_semaphore, #tpu.memory_space<semaphore_mem>>)
    %dma_start3A_262 = arith.constant 26 : i32
    %dma_start3A_263 = arith.constant 26 : i32
    %dma_start3A_264 = arith.constant 0 : i32
    %dma_start3A_265 = tpu.memref_slice %arg6[%dma_start3A_263, %dma_start3A_264] : memref<32x512xf32, #tpu.memory_space<vmem>> -> memref<1x512xf32, #tpu.memory_space<vmem>>
    %dma_start3A_266 = tpu.memref_squeeze %dma_start3A_265 : memref<1x512xf32, #tpu.memory_space<vmem>> -> memref<512xf32, #tpu.memory_space<vmem>>
    %dma_start3A_267 = arith.constant 0 : i32
    %dma_start3A_268 = tpu.memref_slice %arg3[%dma_start3A_262, %dma_start3A_267] : memref<32x100000xf32, #tpu.memory_space<hbm>> -> memref<1x100000xf32, #tpu.memory_space<hbm>>
    %dma_start3A_269 = tpu.memref_squeeze %dma_start3A_268 : memref<1x100000xf32, #tpu.memory_space<hbm>> -> memref<100000xf32, #tpu.memory_space<hbm>>
    %dma_start3A_270 = arith.constant 0 : i32
    %dma_start3A_271 = tpu.memref_slice %dma_start3A_269[%dma_start3A_270] : memref<100000xf32, #tpu.memory_space<hbm>> -> memref<100000xf32, #tpu.memory_space<hbm>>
    tpu.enqueue_indirect_dma source(%dma_start3A_271 : memref<100000xf32, #tpu.memory_space<hbm>>) target(%dma_start3A_266 : memref<512xf32, #tpu.memory_space<vmem>>) offsets(%arg5 : memref<512xi32, #tpu.memory_space<vmem>>) semaphore(%arg7 : memref<!tpu.dma_semaphore, #tpu.memory_space<semaphore_mem>>)
    %dma_start3A_272 = arith.constant 27 : i32
    %dma_start3A_273 = arith.constant 27 : i32
    %dma_start3A_274 = arith.constant 0 : i32
    %dma_start3A_275 = tpu.memref_slice %arg6[%dma_start3A_273, %dma_start3A_274] : memref<32x512xf32, #tpu.memory_space<vmem>> -> memref<1x512xf32, #tpu.memory_space<vmem>>
    %dma_start3A_276 = tpu.memref_squeeze %dma_start3A_275 : memref<1x512xf32, #tpu.memory_space<vmem>> -> memref<512xf32, #tpu.memory_space<vmem>>
    %dma_start3A_277 = arith.constant 0 : i32
    %dma_start3A_278 = tpu.memref_slice %arg3[%dma_start3A_272, %dma_start3A_277] : memref<32x100000xf32, #tpu.memory_space<hbm>> -> memref<1x100000xf32, #tpu.memory_space<hbm>>
    %dma_start3A_279 = tpu.memref_squeeze %dma_start3A_278 : memref<1x100000xf32, #tpu.memory_space<hbm>> -> memref<100000xf32, #tpu.memory_space<hbm>>
    %dma_start3A_280 = arith.constant 0 : i32
    %dma_start3A_281 = tpu.memref_slice %dma_start3A_279[%dma_start3A_280] : memref<100000xf32, #tpu.memory_space<hbm>> -> memref<100000xf32, #tpu.memory_space<hbm>>
    tpu.enqueue_indirect_dma source(%dma_start3A_281 : memref<100000xf32, #tpu.memory_space<hbm>>) target(%dma_start3A_276 : memref<512xf32, #tpu.memory_space<vmem>>) offsets(%arg5 : memref<512xi32, #tpu.memory_space<vmem>>) semaphore(%arg7 : memref<!tpu.dma_semaphore, #tpu.memory_space<semaphore_mem>>)
    %dma_start3A_282 = arith.constant 28 : i32
    %dma_start3A_283 = arith.constant 28 : i32
    %dma_start3A_284 = arith.constant 0 : i32
    %dma_start3A_285 = tpu.memref_slice %arg6[%dma_start3A_283, %dma_start3A_284] : memref<32x512xf32, #tpu.memory_space<vmem>> -> memref<1x512xf32, #tpu.memory_space<vmem>>
    %dma_start3A_286 = tpu.memref_squeeze %dma_start3A_285 : memref<1x512xf32, #tpu.memory_space<vmem>> -> memref<512xf32, #tpu.memory_space<vmem>>
    %dma_start3A_287 = arith.constant 0 : i32
    %dma_start3A_288 = tpu.memref_slice %arg3[%dma_start3A_282, %dma_start3A_287] : memref<32x100000xf32, #tpu.memory_space<hbm>> -> memref<1x100000xf32, #tpu.memory_space<hbm>>
    %dma_start3A_289 = tpu.memref_squeeze %dma_start3A_288 : memref<1x100000xf32, #tpu.memory_space<hbm>> -> memref<100000xf32, #tpu.memory_space<hbm>>
    %dma_start3A_290 = arith.constant 0 : i32
    %dma_start3A_291 = tpu.memref_slice %dma_start3A_289[%dma_start3A_290] : memref<100000xf32, #tpu.memory_space<hbm>> -> memref<100000xf32, #tpu.memory_space<hbm>>
    tpu.enqueue_indirect_dma source(%dma_start3A_291 : memref<100000xf32, #tpu.memory_space<hbm>>) target(%dma_start3A_286 : memref<512xf32, #tpu.memory_space<vmem>>) offsets(%arg5 : memref<512xi32, #tpu.memory_space<vmem>>) semaphore(%arg7 : memref<!tpu.dma_semaphore, #tpu.memory_space<semaphore_mem>>)
    %dma_start3A_292 = arith.constant 29 : i32
    %dma_start3A_293 = arith.constant 29 : i32
    %dma_start3A_294 = arith.constant 0 : i32
    %dma_start3A_295 = tpu.memref_slice %arg6[%dma_start3A_293, %dma_start3A_294] : memref<32x512xf32, #tpu.memory_space<vmem>> -> memref<1x512xf32, #tpu.memory_space<vmem>>
    %dma_start3A_296 = tpu.memref_squeeze %dma_start3A_295 : memref<1x512xf32, #tpu.memory_space<vmem>> -> memref<512xf32, #tpu.memory_space<vmem>>
    %dma_start3A_297 = arith.constant 0 : i32
    %dma_start3A_298 = tpu.memref_slice %arg3[%dma_start3A_292, %dma_start3A_297] : memref<32x100000xf32, #tpu.memory_space<hbm>> -> memref<1x100000xf32, #tpu.memory_space<hbm>>
    %dma_start3A_299 = tpu.memref_squeeze %dma_start3A_298 : memref<1x100000xf32, #tpu.memory_space<hbm>> -> memref<100000xf32, #tpu.memory_space<hbm>>
    %dma_start3A_300 = arith.constant 0 : i32
    %dma_start3A_301 = tpu.memref_slice %dma_start3A_299[%dma_start3A_300] : memref<100000xf32, #tpu.memory_space<hbm>> -> memref<100000xf32, #tpu.memory_space<hbm>>
    tpu.enqueue_indirect_dma source(%dma_start3A_301 : memref<100000xf32, #tpu.memory_space<hbm>>) target(%dma_start3A_296 : memref<512xf32, #tpu.memory_space<vmem>>) offsets(%arg5 : memref<512xi32, #tpu.memory_space<vmem>>) semaphore(%arg7 : memref<!tpu.dma_semaphore, #tpu.memory_space<semaphore_mem>>)
    %dma_start3A_302 = arith.constant 30 : i32
    %dma_start3A_303 = arith.constant 30 : i32
    %dma_start3A_304 = arith.constant 0 : i32
    %dma_start3A_305 = tpu.memref_slice %arg6[%dma_start3A_303, %dma_start3A_304] : memref<32x512xf32, #tpu.memory_space<vmem>> -> memref<1x512xf32, #tpu.memory_space<vmem>>
    %dma_start3A_306 = tpu.memref_squeeze %dma_start3A_305 : memref<1x512xf32, #tpu.memory_space<vmem>> -> memref<512xf32, #tpu.memory_space<vmem>>
    %dma_start3A_307 = arith.constant 0 : i32
    %dma_start3A_308 = tpu.memref_slice %arg3[%dma_start3A_302, %dma_start3A_307] : memref<32x100000xf32, #tpu.memory_space<hbm>> -> memref<1x100000xf32, #tpu.memory_space<hbm>>
    %dma_start3A_309 = tpu.memref_squeeze %dma_start3A_308 : memref<1x100000xf32, #tpu.memory_space<hbm>> -> memref<100000xf32, #tpu.memory_space<hbm>>
    %dma_start3A_310 = arith.constant 0 : i32
    %dma_start3A_311 = tpu.memref_slice %dma_start3A_309[%dma_start3A_310] : memref<100000xf32, #tpu.memory_space<hbm>> -> memref<100000xf32, #tpu.memory_space<hbm>>
    tpu.enqueue_indirect_dma source(%dma_start3A_311 : memref<100000xf32, #tpu.memory_space<hbm>>) target(%dma_start3A_306 : memref<512xf32, #tpu.memory_space<vmem>>) offsets(%arg5 : memref<512xi32, #tpu.memory_space<vmem>>) semaphore(%arg7 : memref<!tpu.dma_semaphore, #tpu.memory_space<semaphore_mem>>)
    %dma_start3A_312 = arith.constant 31 : i32
    %dma_start3A_313 = arith.constant 31 : i32
    %dma_start3A_314 = arith.constant 0 : i32
    %dma_start3A_315 = tpu.memref_slice %arg6[%dma_start3A_313, %dma_start3A_314] : memref<32x512xf32, #tpu.memory_space<vmem>> -> memref<1x512xf32, #tpu.memory_space<vmem>>
    %dma_start3A_316 = tpu.memref_squeeze %dma_start3A_315 : memref<1x512xf32, #tpu.memory_space<vmem>> -> memref<512xf32, #tpu.memory_space<vmem>>
    %dma_start3A_317 = arith.constant 0 : i32
    %dma_start3A_318 = tpu.memref_slice %arg3[%dma_start3A_312, %dma_start3A_317] : memref<32x100000xf32, #tpu.memory_space<hbm>> -> memref<1x100000xf32, #tpu.memory_space<hbm>>
    %dma_start3A_319 = tpu.memref_squeeze %dma_start3A_318 : memref<1x100000xf32, #tpu.memory_space<hbm>> -> memref<100000xf32, #tpu.memory_space<hbm>>
    %dma_start3A_320 = arith.constant 0 : i32
    %dma_start3A_321 = tpu.memref_slice %dma_start3A_319[%dma_start3A_320] : memref<100000xf32, #tpu.memory_space<hbm>> -> memref<100000xf32, #tpu.memory_space<hbm>>
    tpu.enqueue_indirect_dma source(%dma_start3A_321 : memref<100000xf32, #tpu.memory_space<hbm>>) target(%dma_start3A_316 : memref<512xf32, #tpu.memory_space<vmem>>) offsets(%arg5 : memref<512xi32, #tpu.memory_space<vmem>>) semaphore(%arg7 : memref<!tpu.dma_semaphore, #tpu.memory_space<semaphore_mem>>)
    %dma_wait3A = arith.constant 0 : i32
    %dma_wait3A_322 = arith.constant 0 : i32
    %dma_wait3A_323 = arith.constant 0 : i32
    %dma_wait3A_324 = tpu.memref_slice %arg6[%dma_wait3A_322, %dma_wait3A_323] : memref<32x512xf32, #tpu.memory_space<vmem>> -> memref<1x512xf32, #tpu.memory_space<vmem>>
    %dma_wait3A_325 = tpu.memref_squeeze %dma_wait3A_324 : memref<1x512xf32, #tpu.memory_space<vmem>> -> memref<512xf32, #tpu.memory_space<vmem>>
    %dma_wait3A_326 = arith.constant 0 : i32
    %dma_wait3A_327 = tpu.memref_slice %arg3[%dma_wait3A, %dma_wait3A_326] : memref<32x100000xf32, #tpu.memory_space<hbm>> -> memref<1x100000xf32, #tpu.memory_space<hbm>>
    %dma_wait3A_328 = tpu.memref_squeeze %dma_wait3A_327 : memref<1x100000xf32, #tpu.memory_space<hbm>> -> memref<100000xf32, #tpu.memory_space<hbm>>
    %dma_wait3A_329 = arith.constant 0 : i32
    %dma_wait3A_330 = tpu.memref_slice %dma_wait3A_328[%dma_wait3A_329] : memref<100000xf32, #tpu.memory_space<hbm>> -> memref<100000xf32, #tpu.memory_space<hbm>>
    tpu.wait_indirect_dma semaphore(%arg7 : memref<!tpu.dma_semaphore, #tpu.memory_space<semaphore_mem>>) src(%dma_wait3A_330 : memref<100000xf32, #tpu.memory_space<hbm>>) dst(%dma_wait3A_325 : memref<512xf32, #tpu.memory_space<vmem>>)
    %dma_wait3A_331 = arith.constant 1 : i32
    %dma_wait3A_332 = arith.constant 1 : i32
    %dma_wait3A_333 = arith.constant 0 : i32
    %dma_wait3A_334 = tpu.memref_slice %arg6[%dma_wait3A_332, %dma_wait3A_333] : memref<32x512xf32, #tpu.memory_space<vmem>> -> memref<1x512xf32, #tpu.memory_space<vmem>>
    %dma_wait3A_335 = tpu.memref_squeeze %dma_wait3A_334 : memref<1x512xf32, #tpu.memory_space<vmem>> -> memref<512xf32, #tpu.memory_space<vmem>>
    %dma_wait3A_336 = arith.constant 0 : i32
    %dma_wait3A_337 = tpu.memref_slice %arg3[%dma_wait3A_331, %dma_wait3A_336] : memref<32x100000xf32, #tpu.memory_space<hbm>> -> memref<1x100000xf32, #tpu.memory_space<hbm>>
    %dma_wait3A_338 = tpu.memref_squeeze %dma_wait3A_337 : memref<1x100000xf32, #tpu.memory_space<hbm>> -> memref<100000xf32, #tpu.memory_space<hbm>>
    %dma_wait3A_339 = arith.constant 0 : i32
    %dma_wait3A_340 = tpu.memref_slice %dma_wait3A_338[%dma_wait3A_339] : memref<100000xf32, #tpu.memory_space<hbm>> -> memref<100000xf32, #tpu.memory_space<hbm>>
    tpu.wait_indirect_dma semaphore(%arg7 : memref<!tpu.dma_semaphore, #tpu.memory_space<semaphore_mem>>) src(%dma_wait3A_340 : memref<100000xf32, #tpu.memory_space<hbm>>) dst(%dma_wait3A_335 : memref<512xf32, #tpu.memory_space<vmem>>)
    %dma_wait3A_341 = arith.constant 2 : i32
    %dma_wait3A_342 = arith.constant 2 : i32
    %dma_wait3A_343 = arith.constant 0 : i32
    %dma_wait3A_344 = tpu.memref_slice %arg6[%dma_wait3A_342, %dma_wait3A_343] : memref<32x512xf32, #tpu.memory_space<vmem>> -> memref<1x512xf32, #tpu.memory_space<vmem>>
    %dma_wait3A_345 = tpu.memref_squeeze %dma_wait3A_344 : memref<1x512xf32, #tpu.memory_space<vmem>> -> memref<512xf32, #tpu.memory_space<vmem>>
    %dma_wait3A_346 = arith.constant 0 : i32
    %dma_wait3A_347 = tpu.memref_slice %arg3[%dma_wait3A_341, %dma_wait3A_346] : memref<32x100000xf32, #tpu.memory_space<hbm>> -> memref<1x100000xf32, #tpu.memory_space<hbm>>
    %dma_wait3A_348 = tpu.memref_squeeze %dma_wait3A_347 : memref<1x100000xf32, #tpu.memory_space<hbm>> -> memref<100000xf32, #tpu.memory_space<hbm>>
    %dma_wait3A_349 = arith.constant 0 : i32
    %dma_wait3A_350 = tpu.memref_slice %dma_wait3A_348[%dma_wait3A_349] : memref<100000xf32, #tpu.memory_space<hbm>> -> memref<100000xf32, #tpu.memory_space<hbm>>
    tpu.wait_indirect_dma semaphore(%arg7 : memref<!tpu.dma_semaphore, #tpu.memory_space<semaphore_mem>>) src(%dma_wait3A_350 : memref<100000xf32, #tpu.memory_space<hbm>>) dst(%dma_wait3A_345 : memref<512xf32, #tpu.memory_space<vmem>>)
    %dma_wait3A_351 = arith.constant 3 : i32
    %dma_wait3A_352 = arith.constant 3 : i32
    %dma_wait3A_353 = arith.constant 0 : i32
    %dma_wait3A_354 = tpu.memref_slice %arg6[%dma_wait3A_352, %dma_wait3A_353] : memref<32x512xf32, #tpu.memory_space<vmem>> -> memref<1x512xf32, #tpu.memory_space<vmem>>
    %dma_wait3A_355 = tpu.memref_squeeze %dma_wait3A_354 : memref<1x512xf32, #tpu.memory_space<vmem>> -> memref<512xf32, #tpu.memory_space<vmem>>
    %dma_wait3A_356 = arith.constant 0 : i32
    %dma_wait3A_357 = tpu.memref_slice %arg3[%dma_wait3A_351, %dma_wait3A_356] : memref<32x100000xf32, #tpu.memory_space<hbm>> -> memref<1x100000xf32, #tpu.memory_space<hbm>>
    %dma_wait3A_358 = tpu.memref_squeeze %dma_wait3A_357 : memref<1x100000xf32, #tpu.memory_space<hbm>> -> memref<100000xf32, #tpu.memory_space<hbm>>
    %dma_wait3A_359 = arith.constant 0 : i32
    %dma_wait3A_360 = tpu.memref_slice %dma_wait3A_358[%dma_wait3A_359] : memref<100000xf32, #tpu.memory_space<hbm>> -> memref<100000xf32, #tpu.memory_space<hbm>>
    tpu.wait_indirect_dma semaphore(%arg7 : memref<!tpu.dma_semaphore, #tpu.memory_space<semaphore_mem>>) src(%dma_wait3A_360 : memref<100000xf32, #tpu.memory_space<hbm>>) dst(%dma_wait3A_355 : memref<512xf32, #tpu.memory_space<vmem>>)
    %dma_wait3A_361 = arith.constant 4 : i32
    %dma_wait3A_362 = arith.constant 4 : i32
    %dma_wait3A_363 = arith.constant 0 : i32
    %dma_wait3A_364 = tpu.memref_slice %arg6[%dma_wait3A_362, %dma_wait3A_363] : memref<32x512xf32, #tpu.memory_space<vmem>> -> memref<1x512xf32, #tpu.memory_space<vmem>>
    %dma_wait3A_365 = tpu.memref_squeeze %dma_wait3A_364 : memref<1x512xf32, #tpu.memory_space<vmem>> -> memref<512xf32, #tpu.memory_space<vmem>>
    %dma_wait3A_366 = arith.constant 0 : i32
    %dma_wait3A_367 = tpu.memref_slice %arg3[%dma_wait3A_361, %dma_wait3A_366] : memref<32x100000xf32, #tpu.memory_space<hbm>> -> memref<1x100000xf32, #tpu.memory_space<hbm>>
    %dma_wait3A_368 = tpu.memref_squeeze %dma_wait3A_367 : memref<1x100000xf32, #tpu.memory_space<hbm>> -> memref<100000xf32, #tpu.memory_space<hbm>>
    %dma_wait3A_369 = arith.constant 0 : i32
    %dma_wait3A_370 = tpu.memref_slice %dma_wait3A_368[%dma_wait3A_369] : memref<100000xf32, #tpu.memory_space<hbm>> -> memref<100000xf32, #tpu.memory_space<hbm>>
    tpu.wait_indirect_dma semaphore(%arg7 : memref<!tpu.dma_semaphore, #tpu.memory_space<semaphore_mem>>) src(%dma_wait3A_370 : memref<100000xf32, #tpu.memory_space<hbm>>) dst(%dma_wait3A_365 : memref<512xf32, #tpu.memory_space<vmem>>)
    %dma_wait3A_371 = arith.constant 5 : i32
    %dma_wait3A_372 = arith.constant 5 : i32
    %dma_wait3A_373 = arith.constant 0 : i32
    %dma_wait3A_374 = tpu.memref_slice %arg6[%dma_wait3A_372, %dma_wait3A_373] : memref<32x512xf32, #tpu.memory_space<vmem>> -> memref<1x512xf32, #tpu.memory_space<vmem>>
    %dma_wait3A_375 = tpu.memref_squeeze %dma_wait3A_374 : memref<1x512xf32, #tpu.memory_space<vmem>> -> memref<512xf32, #tpu.memory_space<vmem>>
    %dma_wait3A_376 = arith.constant 0 : i32
    %dma_wait3A_377 = tpu.memref_slice %arg3[%dma_wait3A_371, %dma_wait3A_376] : memref<32x100000xf32, #tpu.memory_space<hbm>> -> memref<1x100000xf32, #tpu.memory_space<hbm>>
    %dma_wait3A_378 = tpu.memref_squeeze %dma_wait3A_377 : memref<1x100000xf32, #tpu.memory_space<hbm>> -> memref<100000xf32, #tpu.memory_space<hbm>>
    %dma_wait3A_379 = arith.constant 0 : i32
    %dma_wait3A_380 = tpu.memref_slice %dma_wait3A_378[%dma_wait3A_379] : memref<100000xf32, #tpu.memory_space<hbm>> -> memref<100000xf32, #tpu.memory_space<hbm>>
    tpu.wait_indirect_dma semaphore(%arg7 : memref<!tpu.dma_semaphore, #tpu.memory_space<semaphore_mem>>) src(%dma_wait3A_380 : memref<100000xf32, #tpu.memory_space<hbm>>) dst(%dma_wait3A_375 : memref<512xf32, #tpu.memory_space<vmem>>)
    %dma_wait3A_381 = arith.constant 6 : i32
    %dma_wait3A_382 = arith.constant 6 : i32
    %dma_wait3A_383 = arith.constant 0 : i32
    %dma_wait3A_384 = tpu.memref_slice %arg6[%dma_wait3A_382, %dma_wait3A_383] : memref<32x512xf32, #tpu.memory_space<vmem>> -> memref<1x512xf32, #tpu.memory_space<vmem>>
    %dma_wait3A_385 = tpu.memref_squeeze %dma_wait3A_384 : memref<1x512xf32, #tpu.memory_space<vmem>> -> memref<512xf32, #tpu.memory_space<vmem>>
    %dma_wait3A_386 = arith.constant 0 : i32
    %dma_wait3A_387 = tpu.memref_slice %arg3[%dma_wait3A_381, %dma_wait3A_386] : memref<32x100000xf32, #tpu.memory_space<hbm>> -> memref<1x100000xf32, #tpu.memory_space<hbm>>
    %dma_wait3A_388 = tpu.memref_squeeze %dma_wait3A_387 : memref<1x100000xf32, #tpu.memory_space<hbm>> -> memref<100000xf32, #tpu.memory_space<hbm>>
    %dma_wait3A_389 = arith.constant 0 : i32
    %dma_wait3A_390 = tpu.memref_slice %dma_wait3A_388[%dma_wait3A_389] : memref<100000xf32, #tpu.memory_space<hbm>> -> memref<100000xf32, #tpu.memory_space<hbm>>
    tpu.wait_indirect_dma semaphore(%arg7 : memref<!tpu.dma_semaphore, #tpu.memory_space<semaphore_mem>>) src(%dma_wait3A_390 : memref<100000xf32, #tpu.memory_space<hbm>>) dst(%dma_wait3A_385 : memref<512xf32, #tpu.memory_space<vmem>>)
    %dma_wait3A_391 = arith.constant 7 : i32
    %dma_wait3A_392 = arith.constant 7 : i32
    %dma_wait3A_393 = arith.constant 0 : i32
    %dma_wait3A_394 = tpu.memref_slice %arg6[%dma_wait3A_392, %dma_wait3A_393] : memref<32x512xf32, #tpu.memory_space<vmem>> -> memref<1x512xf32, #tpu.memory_space<vmem>>
    %dma_wait3A_395 = tpu.memref_squeeze %dma_wait3A_394 : memref<1x512xf32, #tpu.memory_space<vmem>> -> memref<512xf32, #tpu.memory_space<vmem>>
    %dma_wait3A_396 = arith.constant 0 : i32
    %dma_wait3A_397 = tpu.memref_slice %arg3[%dma_wait3A_391, %dma_wait3A_396] : memref<32x100000xf32, #tpu.memory_space<hbm>> -> memref<1x100000xf32, #tpu.memory_space<hbm>>
    %dma_wait3A_398 = tpu.memref_squeeze %dma_wait3A_397 : memref<1x100000xf32, #tpu.memory_space<hbm>> -> memref<100000xf32, #tpu.memory_space<hbm>>
    %dma_wait3A_399 = arith.constant 0 : i32
    %dma_wait3A_400 = tpu.memref_slice %dma_wait3A_398[%dma_wait3A_399] : memref<100000xf32, #tpu.memory_space<hbm>> -> memref<100000xf32, #tpu.memory_space<hbm>>
    tpu.wait_indirect_dma semaphore(%arg7 : memref<!tpu.dma_semaphore, #tpu.memory_space<semaphore_mem>>) src(%dma_wait3A_400 : memref<100000xf32, #tpu.memory_space<hbm>>) dst(%dma_wait3A_395 : memref<512xf32, #tpu.memory_space<vmem>>)
    %dma_wait3A_401 = arith.constant 8 : i32
    %dma_wait3A_402 = arith.constant 8 : i32
    %dma_wait3A_403 = arith.constant 0 : i32
    %dma_wait3A_404 = tpu.memref_slice %arg6[%dma_wait3A_402, %dma_wait3A_403] : memref<32x512xf32, #tpu.memory_space<vmem>> -> memref<1x512xf32, #tpu.memory_space<vmem>>
    %dma_wait3A_405 = tpu.memref_squeeze %dma_wait3A_404 : memref<1x512xf32, #tpu.memory_space<vmem>> -> memref<512xf32, #tpu.memory_space<vmem>>
    %dma_wait3A_406 = arith.constant 0 : i32
    %dma_wait3A_407 = tpu.memref_slice %arg3[%dma_wait3A_401, %dma_wait3A_406] : memref<32x100000xf32, #tpu.memory_space<hbm>> -> memref<1x100000xf32, #tpu.memory_space<hbm>>
    %dma_wait3A_408 = tpu.memref_squeeze %dma_wait3A_407 : memref<1x100000xf32, #tpu.memory_space<hbm>> -> memref<100000xf32, #tpu.memory_space<hbm>>
    %dma_wait3A_409 = arith.constant 0 : i32
    %dma_wait3A_410 = tpu.memref_slice %dma_wait3A_408[%dma_wait3A_409] : memref<100000xf32, #tpu.memory_space<hbm>> -> memref<100000xf32, #tpu.memory_space<hbm>>
    tpu.wait_indirect_dma semaphore(%arg7 : memref<!tpu.dma_semaphore, #tpu.memory_space<semaphore_mem>>) src(%dma_wait3A_410 : memref<100000xf32, #tpu.memory_space<hbm>>) dst(%dma_wait3A_405 : memref<512xf32, #tpu.memory_space<vmem>>)
    %dma_wait3A_411 = arith.constant 9 : i32
    %dma_wait3A_412 = arith.constant 9 : i32
    %dma_wait3A_413 = arith.constant 0 : i32
    %dma_wait3A_414 = tpu.memref_slice %arg6[%dma_wait3A_412, %dma_wait3A_413] : memref<32x512xf32, #tpu.memory_space<vmem>> -> memref<1x512xf32, #tpu.memory_space<vmem>>
    %dma_wait3A_415 = tpu.memref_squeeze %dma_wait3A_414 : memref<1x512xf32, #tpu.memory_space<vmem>> -> memref<512xf32, #tpu.memory_space<vmem>>
    %dma_wait3A_416 = arith.constant 0 : i32
    %dma_wait3A_417 = tpu.memref_slice %arg3[%dma_wait3A_411, %dma_wait3A_416] : memref<32x100000xf32, #tpu.memory_space<hbm>> -> memref<1x100000xf32, #tpu.memory_space<hbm>>
    %dma_wait3A_418 = tpu.memref_squeeze %dma_wait3A_417 : memref<1x100000xf32, #tpu.memory_space<hbm>> -> memref<100000xf32, #tpu.memory_space<hbm>>
    %dma_wait3A_419 = arith.constant 0 : i32
    %dma_wait3A_420 = tpu.memref_slice %dma_wait3A_418[%dma_wait3A_419] : memref<100000xf32, #tpu.memory_space<hbm>> -> memref<100000xf32, #tpu.memory_space<hbm>>
    tpu.wait_indirect_dma semaphore(%arg7 : memref<!tpu.dma_semaphore, #tpu.memory_space<semaphore_mem>>) src(%dma_wait3A_420 : memref<100000xf32, #tpu.memory_space<hbm>>) dst(%dma_wait3A_415 : memref<512xf32, #tpu.memory_space<vmem>>)
    %dma_wait3A_421 = arith.constant 10 : i32
    %dma_wait3A_422 = arith.constant 10 : i32
    %dma_wait3A_423 = arith.constant 0 : i32
    %dma_wait3A_424 = tpu.memref_slice %arg6[%dma_wait3A_422, %dma_wait3A_423] : memref<32x512xf32, #tpu.memory_space<vmem>> -> memref<1x512xf32, #tpu.memory_space<vmem>>
    %dma_wait3A_425 = tpu.memref_squeeze %dma_wait3A_424 : memref<1x512xf32, #tpu.memory_space<vmem>> -> memref<512xf32, #tpu.memory_space<vmem>>
    %dma_wait3A_426 = arith.constant 0 : i32
    %dma_wait3A_427 = tpu.memref_slice %arg3[%dma_wait3A_421, %dma_wait3A_426] : memref<32x100000xf32, #tpu.memory_space<hbm>> -> memref<1x100000xf32, #tpu.memory_space<hbm>>
    %dma_wait3A_428 = tpu.memref_squeeze %dma_wait3A_427 : memref<1x100000xf32, #tpu.memory_space<hbm>> -> memref<100000xf32, #tpu.memory_space<hbm>>
    %dma_wait3A_429 = arith.constant 0 : i32
    %dma_wait3A_430 = tpu.memref_slice %dma_wait3A_428[%dma_wait3A_429] : memref<100000xf32, #tpu.memory_space<hbm>> -> memref<100000xf32, #tpu.memory_space<hbm>>
    tpu.wait_indirect_dma semaphore(%arg7 : memref<!tpu.dma_semaphore, #tpu.memory_space<semaphore_mem>>) src(%dma_wait3A_430 : memref<100000xf32, #tpu.memory_space<hbm>>) dst(%dma_wait3A_425 : memref<512xf32, #tpu.memory_space<vmem>>)
    %dma_wait3A_431 = arith.constant 11 : i32
    %dma_wait3A_432 = arith.constant 11 : i32
    %dma_wait3A_433 = arith.constant 0 : i32
    %dma_wait3A_434 = tpu.memref_slice %arg6[%dma_wait3A_432, %dma_wait3A_433] : memref<32x512xf32, #tpu.memory_space<vmem>> -> memref<1x512xf32, #tpu.memory_space<vmem>>
    %dma_wait3A_435 = tpu.memref_squeeze %dma_wait3A_434 : memref<1x512xf32, #tpu.memory_space<vmem>> -> memref<512xf32, #tpu.memory_space<vmem>>
    %dma_wait3A_436 = arith.constant 0 : i32
    %dma_wait3A_437 = tpu.memref_slice %arg3[%dma_wait3A_431, %dma_wait3A_436] : memref<32x100000xf32, #tpu.memory_space<hbm>> -> memref<1x100000xf32, #tpu.memory_space<hbm>>
    %dma_wait3A_438 = tpu.memref_squeeze %dma_wait3A_437 : memref<1x100000xf32, #tpu.memory_space<hbm>> -> memref<100000xf32, #tpu.memory_space<hbm>>
    %dma_wait3A_439 = arith.constant 0 : i32
    %dma_wait3A_440 = tpu.memref_slice %dma_wait3A_438[%dma_wait3A_439] : memref<100000xf32, #tpu.memory_space<hbm>> -> memref<100000xf32, #tpu.memory_space<hbm>>
    tpu.wait_indirect_dma semaphore(%arg7 : memref<!tpu.dma_semaphore, #tpu.memory_space<semaphore_mem>>) src(%dma_wait3A_440 : memref<100000xf32, #tpu.memory_space<hbm>>) dst(%dma_wait3A_435 : memref<512xf32, #tpu.memory_space<vmem>>)
    %dma_wait3A_441 = arith.constant 12 : i32
    %dma_wait3A_442 = arith.constant 12 : i32
    %dma_wait3A_443 = arith.constant 0 : i32
    %dma_wait3A_444 = tpu.memref_slice %arg6[%dma_wait3A_442, %dma_wait3A_443] : memref<32x512xf32, #tpu.memory_space<vmem>> -> memref<1x512xf32, #tpu.memory_space<vmem>>
    %dma_wait3A_445 = tpu.memref_squeeze %dma_wait3A_444 : memref<1x512xf32, #tpu.memory_space<vmem>> -> memref<512xf32, #tpu.memory_space<vmem>>
    %dma_wait3A_446 = arith.constant 0 : i32
    %dma_wait3A_447 = tpu.memref_slice %arg3[%dma_wait3A_441, %dma_wait3A_446] : memref<32x100000xf32, #tpu.memory_space<hbm>> -> memref<1x100000xf32, #tpu.memory_space<hbm>>
    %dma_wait3A_448 = tpu.memref_squeeze %dma_wait3A_447 : memref<1x100000xf32, #tpu.memory_space<hbm>> -> memref<100000xf32, #tpu.memory_space<hbm>>
    %dma_wait3A_449 = arith.constant 0 : i32
    %dma_wait3A_450 = tpu.memref_slice %dma_wait3A_448[%dma_wait3A_449] : memref<100000xf32, #tpu.memory_space<hbm>> -> memref<100000xf32, #tpu.memory_space<hbm>>
    tpu.wait_indirect_dma semaphore(%arg7 : memref<!tpu.dma_semaphore, #tpu.memory_space<semaphore_mem>>) src(%dma_wait3A_450 : memref<100000xf32, #tpu.memory_space<hbm>>) dst(%dma_wait3A_445 : memref<512xf32, #tpu.memory_space<vmem>>)
    %dma_wait3A_451 = arith.constant 13 : i32
    %dma_wait3A_452 = arith.constant 13 : i32
    %dma_wait3A_453 = arith.constant 0 : i32
    %dma_wait3A_454 = tpu.memref_slice %arg6[%dma_wait3A_452, %dma_wait3A_453] : memref<32x512xf32, #tpu.memory_space<vmem>> -> memref<1x512xf32, #tpu.memory_space<vmem>>
    %dma_wait3A_455 = tpu.memref_squeeze %dma_wait3A_454 : memref<1x512xf32, #tpu.memory_space<vmem>> -> memref<512xf32, #tpu.memory_space<vmem>>
    %dma_wait3A_456 = arith.constant 0 : i32
    %dma_wait3A_457 = tpu.memref_slice %arg3[%dma_wait3A_451, %dma_wait3A_456] : memref<32x100000xf32, #tpu.memory_space<hbm>> -> memref<1x100000xf32, #tpu.memory_space<hbm>>
    %dma_wait3A_458 = tpu.memref_squeeze %dma_wait3A_457 : memref<1x100000xf32, #tpu.memory_space<hbm>> -> memref<100000xf32, #tpu.memory_space<hbm>>
    %dma_wait3A_459 = arith.constant 0 : i32
    %dma_wait3A_460 = tpu.memref_slice %dma_wait3A_458[%dma_wait3A_459] : memref<100000xf32, #tpu.memory_space<hbm>> -> memref<100000xf32, #tpu.memory_space<hbm>>
    tpu.wait_indirect_dma semaphore(%arg7 : memref<!tpu.dma_semaphore, #tpu.memory_space<semaphore_mem>>) src(%dma_wait3A_460 : memref<100000xf32, #tpu.memory_space<hbm>>) dst(%dma_wait3A_455 : memref<512xf32, #tpu.memory_space<vmem>>)
    %dma_wait3A_461 = arith.constant 14 : i32
    %dma_wait3A_462 = arith.constant 14 : i32
    %dma_wait3A_463 = arith.constant 0 : i32
    %dma_wait3A_464 = tpu.memref_slice %arg6[%dma_wait3A_462, %dma_wait3A_463] : memref<32x512xf32, #tpu.memory_space<vmem>> -> memref<1x512xf32, #tpu.memory_space<vmem>>
    %dma_wait3A_465 = tpu.memref_squeeze %dma_wait3A_464 : memref<1x512xf32, #tpu.memory_space<vmem>> -> memref<512xf32, #tpu.memory_space<vmem>>
    %dma_wait3A_466 = arith.constant 0 : i32
    %dma_wait3A_467 = tpu.memref_slice %arg3[%dma_wait3A_461, %dma_wait3A_466] : memref<32x100000xf32, #tpu.memory_space<hbm>> -> memref<1x100000xf32, #tpu.memory_space<hbm>>
    %dma_wait3A_468 = tpu.memref_squeeze %dma_wait3A_467 : memref<1x100000xf32, #tpu.memory_space<hbm>> -> memref<100000xf32, #tpu.memory_space<hbm>>
    %dma_wait3A_469 = arith.constant 0 : i32
    %dma_wait3A_470 = tpu.memref_slice %dma_wait3A_468[%dma_wait3A_469] : memref<100000xf32, #tpu.memory_space<hbm>> -> memref<100000xf32, #tpu.memory_space<hbm>>
    tpu.wait_indirect_dma semaphore(%arg7 : memref<!tpu.dma_semaphore, #tpu.memory_space<semaphore_mem>>) src(%dma_wait3A_470 : memref<100000xf32, #tpu.memory_space<hbm>>) dst(%dma_wait3A_465 : memref<512xf32, #tpu.memory_space<vmem>>)
    %dma_wait3A_471 = arith.constant 15 : i32
    %dma_wait3A_472 = arith.constant 15 : i32
    %dma_wait3A_473 = arith.constant 0 : i32
    %dma_wait3A_474 = tpu.memref_slice %arg6[%dma_wait3A_472, %dma_wait3A_473] : memref<32x512xf32, #tpu.memory_space<vmem>> -> memref<1x512xf32, #tpu.memory_space<vmem>>
    %dma_wait3A_475 = tpu.memref_squeeze %dma_wait3A_474 : memref<1x512xf32, #tpu.memory_space<vmem>> -> memref<512xf32, #tpu.memory_space<vmem>>
    %dma_wait3A_476 = arith.constant 0 : i32
    %dma_wait3A_477 = tpu.memref_slice %arg3[%dma_wait3A_471, %dma_wait3A_476] : memref<32x100000xf32, #tpu.memory_space<hbm>> -> memref<1x100000xf32, #tpu.memory_space<hbm>>
    %dma_wait3A_478 = tpu.memref_squeeze %dma_wait3A_477 : memref<1x100000xf32, #tpu.memory_space<hbm>> -> memref<100000xf32, #tpu.memory_space<hbm>>
    %dma_wait3A_479 = arith.constant 0 : i32
    %dma_wait3A_480 = tpu.memref_slice %dma_wait3A_478[%dma_wait3A_479] : memref<100000xf32, #tpu.memory_space<hbm>> -> memref<100000xf32, #tpu.memory_space<hbm>>
    tpu.wait_indirect_dma semaphore(%arg7 : memref<!tpu.dma_semaphore, #tpu.memory_space<semaphore_mem>>) src(%dma_wait3A_480 : memref<100000xf32, #tpu.memory_space<hbm>>) dst(%dma_wait3A_475 : memref<512xf32, #tpu.memory_space<vmem>>)
    %dma_wait3A_481 = arith.constant 16 : i32
    %dma_wait3A_482 = arith.constant 16 : i32
    %dma_wait3A_483 = arith.constant 0 : i32
    %dma_wait3A_484 = tpu.memref_slice %arg6[%dma_wait3A_482, %dma_wait3A_483] : memref<32x512xf32, #tpu.memory_space<vmem>> -> memref<1x512xf32, #tpu.memory_space<vmem>>
    %dma_wait3A_485 = tpu.memref_squeeze %dma_wait3A_484 : memref<1x512xf32, #tpu.memory_space<vmem>> -> memref<512xf32, #tpu.memory_space<vmem>>
    %dma_wait3A_486 = arith.constant 0 : i32
    %dma_wait3A_487 = tpu.memref_slice %arg3[%dma_wait3A_481, %dma_wait3A_486] : memref<32x100000xf32, #tpu.memory_space<hbm>> -> memref<1x100000xf32, #tpu.memory_space<hbm>>
    %dma_wait3A_488 = tpu.memref_squeeze %dma_wait3A_487 : memref<1x100000xf32, #tpu.memory_space<hbm>> -> memref<100000xf32, #tpu.memory_space<hbm>>
    %dma_wait3A_489 = arith.constant 0 : i32
    %dma_wait3A_490 = tpu.memref_slice %dma_wait3A_488[%dma_wait3A_489] : memref<100000xf32, #tpu.memory_space<hbm>> -> memref<100000xf32, #tpu.memory_space<hbm>>
    tpu.wait_indirect_dma semaphore(%arg7 : memref<!tpu.dma_semaphore, #tpu.memory_space<semaphore_mem>>) src(%dma_wait3A_490 : memref<100000xf32, #tpu.memory_space<hbm>>) dst(%dma_wait3A_485 : memref<512xf32, #tpu.memory_space<vmem>>)
    %dma_wait3A_491 = arith.constant 17 : i32
    %dma_wait3A_492 = arith.constant 17 : i32
    %dma_wait3A_493 = arith.constant 0 : i32
    %dma_wait3A_494 = tpu.memref_slice %arg6[%dma_wait3A_492, %dma_wait3A_493] : memref<32x512xf32, #tpu.memory_space<vmem>> -> memref<1x512xf32, #tpu.memory_space<vmem>>
    %dma_wait3A_495 = tpu.memref_squeeze %dma_wait3A_494 : memref<1x512xf32, #tpu.memory_space<vmem>> -> memref<512xf32, #tpu.memory_space<vmem>>
    %dma_wait3A_496 = arith.constant 0 : i32
    %dma_wait3A_497 = tpu.memref_slice %arg3[%dma_wait3A_491, %dma_wait3A_496] : memref<32x100000xf32, #tpu.memory_space<hbm>> -> memref<1x100000xf32, #tpu.memory_space<hbm>>
    %dma_wait3A_498 = tpu.memref_squeeze %dma_wait3A_497 : memref<1x100000xf32, #tpu.memory_space<hbm>> -> memref<100000xf32, #tpu.memory_space<hbm>>
    %dma_wait3A_499 = arith.constant 0 : i32
    %dma_wait3A_500 = tpu.memref_slice %dma_wait3A_498[%dma_wait3A_499] : memref<100000xf32, #tpu.memory_space<hbm>> -> memref<100000xf32, #tpu.memory_space<hbm>>
    tpu.wait_indirect_dma semaphore(%arg7 : memref<!tpu.dma_semaphore, #tpu.memory_space<semaphore_mem>>) src(%dma_wait3A_500 : memref<100000xf32, #tpu.memory_space<hbm>>) dst(%dma_wait3A_495 : memref<512xf32, #tpu.memory_space<vmem>>)
    %dma_wait3A_501 = arith.constant 18 : i32
    %dma_wait3A_502 = arith.constant 18 : i32
    %dma_wait3A_503 = arith.constant 0 : i32
    %dma_wait3A_504 = tpu.memref_slice %arg6[%dma_wait3A_502, %dma_wait3A_503] : memref<32x512xf32, #tpu.memory_space<vmem>> -> memref<1x512xf32, #tpu.memory_space<vmem>>
    %dma_wait3A_505 = tpu.memref_squeeze %dma_wait3A_504 : memref<1x512xf32, #tpu.memory_space<vmem>> -> memref<512xf32, #tpu.memory_space<vmem>>
    %dma_wait3A_506 = arith.constant 0 : i32
    %dma_wait3A_507 = tpu.memref_slice %arg3[%dma_wait3A_501, %dma_wait3A_506] : memref<32x100000xf32, #tpu.memory_space<hbm>> -> memref<1x100000xf32, #tpu.memory_space<hbm>>
    %dma_wait3A_508 = tpu.memref_squeeze %dma_wait3A_507 : memref<1x100000xf32, #tpu.memory_space<hbm>> -> memref<100000xf32, #tpu.memory_space<hbm>>
    %dma_wait3A_509 = arith.constant 0 : i32
    %dma_wait3A_510 = tpu.memref_slice %dma_wait3A_508[%dma_wait3A_509] : memref<100000xf32, #tpu.memory_space<hbm>> -> memref<100000xf32, #tpu.memory_space<hbm>>
    tpu.wait_indirect_dma semaphore(%arg7 : memref<!tpu.dma_semaphore, #tpu.memory_space<semaphore_mem>>) src(%dma_wait3A_510 : memref<100000xf32, #tpu.memory_space<hbm>>) dst(%dma_wait3A_505 : memref<512xf32, #tpu.memory_space<vmem>>)
    %dma_wait3A_511 = arith.constant 19 : i32
    %dma_wait3A_512 = arith.constant 19 : i32
    %dma_wait3A_513 = arith.constant 0 : i32
    %dma_wait3A_514 = tpu.memref_slice %arg6[%dma_wait3A_512, %dma_wait3A_513] : memref<32x512xf32, #tpu.memory_space<vmem>> -> memref<1x512xf32, #tpu.memory_space<vmem>>
    %dma_wait3A_515 = tpu.memref_squeeze %dma_wait3A_514 : memref<1x512xf32, #tpu.memory_space<vmem>> -> memref<512xf32, #tpu.memory_space<vmem>>
    %dma_wait3A_516 = arith.constant 0 : i32
    %dma_wait3A_517 = tpu.memref_slice %arg3[%dma_wait3A_511, %dma_wait3A_516] : memref<32x100000xf32, #tpu.memory_space<hbm>> -> memref<1x100000xf32, #tpu.memory_space<hbm>>
    %dma_wait3A_518 = tpu.memref_squeeze %dma_wait3A_517 : memref<1x100000xf32, #tpu.memory_space<hbm>> -> memref<100000xf32, #tpu.memory_space<hbm>>
    %dma_wait3A_519 = arith.constant 0 : i32
    %dma_wait3A_520 = tpu.memref_slice %dma_wait3A_518[%dma_wait3A_519] : memref<100000xf32, #tpu.memory_space<hbm>> -> memref<100000xf32, #tpu.memory_space<hbm>>
    tpu.wait_indirect_dma semaphore(%arg7 : memref<!tpu.dma_semaphore, #tpu.memory_space<semaphore_mem>>) src(%dma_wait3A_520 : memref<100000xf32, #tpu.memory_space<hbm>>) dst(%dma_wait3A_515 : memref<512xf32, #tpu.memory_space<vmem>>)
    %dma_wait3A_521 = arith.constant 20 : i32
    %dma_wait3A_522 = arith.constant 20 : i32
    %dma_wait3A_523 = arith.constant 0 : i32
    %dma_wait3A_524 = tpu.memref_slice %arg6[%dma_wait3A_522, %dma_wait3A_523] : memref<32x512xf32, #tpu.memory_space<vmem>> -> memref<1x512xf32, #tpu.memory_space<vmem>>
    %dma_wait3A_525 = tpu.memref_squeeze %dma_wait3A_524 : memref<1x512xf32, #tpu.memory_space<vmem>> -> memref<512xf32, #tpu.memory_space<vmem>>
    %dma_wait3A_526 = arith.constant 0 : i32
    %dma_wait3A_527 = tpu.memref_slice %arg3[%dma_wait3A_521, %dma_wait3A_526] : memref<32x100000xf32, #tpu.memory_space<hbm>> -> memref<1x100000xf32, #tpu.memory_space<hbm>>
    %dma_wait3A_528 = tpu.memref_squeeze %dma_wait3A_527 : memref<1x100000xf32, #tpu.memory_space<hbm>> -> memref<100000xf32, #tpu.memory_space<hbm>>
    %dma_wait3A_529 = arith.constant 0 : i32
    %dma_wait3A_530 = tpu.memref_slice %dma_wait3A_528[%dma_wait3A_529] : memref<100000xf32, #tpu.memory_space<hbm>> -> memref<100000xf32, #tpu.memory_space<hbm>>
    tpu.wait_indirect_dma semaphore(%arg7 : memref<!tpu.dma_semaphore, #tpu.memory_space<semaphore_mem>>) src(%dma_wait3A_530 : memref<100000xf32, #tpu.memory_space<hbm>>) dst(%dma_wait3A_525 : memref<512xf32, #tpu.memory_space<vmem>>)
    %dma_wait3A_531 = arith.constant 21 : i32
    %dma_wait3A_532 = arith.constant 21 : i32
    %dma_wait3A_533 = arith.constant 0 : i32
    %dma_wait3A_534 = tpu.memref_slice %arg6[%dma_wait3A_532, %dma_wait3A_533] : memref<32x512xf32, #tpu.memory_space<vmem>> -> memref<1x512xf32, #tpu.memory_space<vmem>>
    %dma_wait3A_535 = tpu.memref_squeeze %dma_wait3A_534 : memref<1x512xf32, #tpu.memory_space<vmem>> -> memref<512xf32, #tpu.memory_space<vmem>>
    %dma_wait3A_536 = arith.constant 0 : i32
    %dma_wait3A_537 = tpu.memref_slice %arg3[%dma_wait3A_531, %dma_wait3A_536] : memref<32x100000xf32, #tpu.memory_space<hbm>> -> memref<1x100000xf32, #tpu.memory_space<hbm>>
    %dma_wait3A_538 = tpu.memref_squeeze %dma_wait3A_537 : memref<1x100000xf32, #tpu.memory_space<hbm>> -> memref<100000xf32, #tpu.memory_space<hbm>>
    %dma_wait3A_539 = arith.constant 0 : i32
    %dma_wait3A_540 = tpu.memref_slice %dma_wait3A_538[%dma_wait3A_539] : memref<100000xf32, #tpu.memory_space<hbm>> -> memref<100000xf32, #tpu.memory_space<hbm>>
    tpu.wait_indirect_dma semaphore(%arg7 : memref<!tpu.dma_semaphore, #tpu.memory_space<semaphore_mem>>) src(%dma_wait3A_540 : memref<100000xf32, #tpu.memory_space<hbm>>) dst(%dma_wait3A_535 : memref<512xf32, #tpu.memory_space<vmem>>)
    %dma_wait3A_541 = arith.constant 22 : i32
    %dma_wait3A_542 = arith.constant 22 : i32
    %dma_wait3A_543 = arith.constant 0 : i32
    %dma_wait3A_544 = tpu.memref_slice %arg6[%dma_wait3A_542, %dma_wait3A_543] : memref<32x512xf32, #tpu.memory_space<vmem>> -> memref<1x512xf32, #tpu.memory_space<vmem>>
    %dma_wait3A_545 = tpu.memref_squeeze %dma_wait3A_544 : memref<1x512xf32, #tpu.memory_space<vmem>> -> memref<512xf32, #tpu.memory_space<vmem>>
    %dma_wait3A_546 = arith.constant 0 : i32
    %dma_wait3A_547 = tpu.memref_slice %arg3[%dma_wait3A_541, %dma_wait3A_546] : memref<32x100000xf32, #tpu.memory_space<hbm>> -> memref<1x100000xf32, #tpu.memory_space<hbm>>
    %dma_wait3A_548 = tpu.memref_squeeze %dma_wait3A_547 : memref<1x100000xf32, #tpu.memory_space<hbm>> -> memref<100000xf32, #tpu.memory_space<hbm>>
    %dma_wait3A_549 = arith.constant 0 : i32
    %dma_wait3A_550 = tpu.memref_slice %dma_wait3A_548[%dma_wait3A_549] : memref<100000xf32, #tpu.memory_space<hbm>> -> memref<100000xf32, #tpu.memory_space<hbm>>
    tpu.wait_indirect_dma semaphore(%arg7 : memref<!tpu.dma_semaphore, #tpu.memory_space<semaphore_mem>>) src(%dma_wait3A_550 : memref<100000xf32, #tpu.memory_space<hbm>>) dst(%dma_wait3A_545 : memref<512xf32, #tpu.memory_space<vmem>>)
    %dma_wait3A_551 = arith.constant 23 : i32
    %dma_wait3A_552 = arith.constant 23 : i32
    %dma_wait3A_553 = arith.constant 0 : i32
    %dma_wait3A_554 = tpu.memref_slice %arg6[%dma_wait3A_552, %dma_wait3A_553] : memref<32x512xf32, #tpu.memory_space<vmem>> -> memref<1x512xf32, #tpu.memory_space<vmem>>
    %dma_wait3A_555 = tpu.memref_squeeze %dma_wait3A_554 : memref<1x512xf32, #tpu.memory_space<vmem>> -> memref<512xf32, #tpu.memory_space<vmem>>
    %dma_wait3A_556 = arith.constant 0 : i32
    %dma_wait3A_557 = tpu.memref_slice %arg3[%dma_wait3A_551, %dma_wait3A_556] : memref<32x100000xf32, #tpu.memory_space<hbm>> -> memref<1x100000xf32, #tpu.memory_space<hbm>>
    %dma_wait3A_558 = tpu.memref_squeeze %dma_wait3A_557 : memref<1x100000xf32, #tpu.memory_space<hbm>> -> memref<100000xf32, #tpu.memory_space<hbm>>
    %dma_wait3A_559 = arith.constant 0 : i32
    %dma_wait3A_560 = tpu.memref_slice %dma_wait3A_558[%dma_wait3A_559] : memref<100000xf32, #tpu.memory_space<hbm>> -> memref<100000xf32, #tpu.memory_space<hbm>>
    tpu.wait_indirect_dma semaphore(%arg7 : memref<!tpu.dma_semaphore, #tpu.memory_space<semaphore_mem>>) src(%dma_wait3A_560 : memref<100000xf32, #tpu.memory_space<hbm>>) dst(%dma_wait3A_555 : memref<512xf32, #tpu.memory_space<vmem>>)
    %dma_wait3A_561 = arith.constant 24 : i32
    %dma_wait3A_562 = arith.constant 24 : i32
    %dma_wait3A_563 = arith.constant 0 : i32
    %dma_wait3A_564 = tpu.memref_slice %arg6[%dma_wait3A_562, %dma_wait3A_563] : memref<32x512xf32, #tpu.memory_space<vmem>> -> memref<1x512xf32, #tpu.memory_space<vmem>>
    %dma_wait3A_565 = tpu.memref_squeeze %dma_wait3A_564 : memref<1x512xf32, #tpu.memory_space<vmem>> -> memref<512xf32, #tpu.memory_space<vmem>>
    %dma_wait3A_566 = arith.constant 0 : i32
    %dma_wait3A_567 = tpu.memref_slice %arg3[%dma_wait3A_561, %dma_wait3A_566] : memref<32x100000xf32, #tpu.memory_space<hbm>> -> memref<1x100000xf32, #tpu.memory_space<hbm>>
    %dma_wait3A_568 = tpu.memref_squeeze %dma_wait3A_567 : memref<1x100000xf32, #tpu.memory_space<hbm>> -> memref<100000xf32, #tpu.memory_space<hbm>>
    %dma_wait3A_569 = arith.constant 0 : i32
    %dma_wait3A_570 = tpu.memref_slice %dma_wait3A_568[%dma_wait3A_569] : memref<100000xf32, #tpu.memory_space<hbm>> -> memref<100000xf32, #tpu.memory_space<hbm>>
    tpu.wait_indirect_dma semaphore(%arg7 : memref<!tpu.dma_semaphore, #tpu.memory_space<semaphore_mem>>) src(%dma_wait3A_570 : memref<100000xf32, #tpu.memory_space<hbm>>) dst(%dma_wait3A_565 : memref<512xf32, #tpu.memory_space<vmem>>)
    %dma_wait3A_571 = arith.constant 25 : i32
    %dma_wait3A_572 = arith.constant 25 : i32
    %dma_wait3A_573 = arith.constant 0 : i32
    %dma_wait3A_574 = tpu.memref_slice %arg6[%dma_wait3A_572, %dma_wait3A_573] : memref<32x512xf32, #tpu.memory_space<vmem>> -> memref<1x512xf32, #tpu.memory_space<vmem>>
    %dma_wait3A_575 = tpu.memref_squeeze %dma_wait3A_574 : memref<1x512xf32, #tpu.memory_space<vmem>> -> memref<512xf32, #tpu.memory_space<vmem>>
    %dma_wait3A_576 = arith.constant 0 : i32
    %dma_wait3A_577 = tpu.memref_slice %arg3[%dma_wait3A_571, %dma_wait3A_576] : memref<32x100000xf32, #tpu.memory_space<hbm>> -> memref<1x100000xf32, #tpu.memory_space<hbm>>
    %dma_wait3A_578 = tpu.memref_squeeze %dma_wait3A_577 : memref<1x100000xf32, #tpu.memory_space<hbm>> -> memref<100000xf32, #tpu.memory_space<hbm>>
    %dma_wait3A_579 = arith.constant 0 : i32
    %dma_wait3A_580 = tpu.memref_slice %dma_wait3A_578[%dma_wait3A_579] : memref<100000xf32, #tpu.memory_space<hbm>> -> memref<100000xf32, #tpu.memory_space<hbm>>
    tpu.wait_indirect_dma semaphore(%arg7 : memref<!tpu.dma_semaphore, #tpu.memory_space<semaphore_mem>>) src(%dma_wait3A_580 : memref<100000xf32, #tpu.memory_space<hbm>>) dst(%dma_wait3A_575 : memref<512xf32, #tpu.memory_space<vmem>>)
    %dma_wait3A_581 = arith.constant 26 : i32
    %dma_wait3A_582 = arith.constant 26 : i32
    %dma_wait3A_583 = arith.constant 0 : i32
    %dma_wait3A_584 = tpu.memref_slice %arg6[%dma_wait3A_582, %dma_wait3A_583] : memref<32x512xf32, #tpu.memory_space<vmem>> -> memref<1x512xf32, #tpu.memory_space<vmem>>
    %dma_wait3A_585 = tpu.memref_squeeze %dma_wait3A_584 : memref<1x512xf32, #tpu.memory_space<vmem>> -> memref<512xf32, #tpu.memory_space<vmem>>
    %dma_wait3A_586 = arith.constant 0 : i32
    %dma_wait3A_587 = tpu.memref_slice %arg3[%dma_wait3A_581, %dma_wait3A_586] : memref<32x100000xf32, #tpu.memory_space<hbm>> -> memref<1x100000xf32, #tpu.memory_space<hbm>>
    %dma_wait3A_588 = tpu.memref_squeeze %dma_wait3A_587 : memref<1x100000xf32, #tpu.memory_space<hbm>> -> memref<100000xf32, #tpu.memory_space<hbm>>
    %dma_wait3A_589 = arith.constant 0 : i32
    %dma_wait3A_590 = tpu.memref_slice %dma_wait3A_588[%dma_wait3A_589] : memref<100000xf32, #tpu.memory_space<hbm>> -> memref<100000xf32, #tpu.memory_space<hbm>>
    tpu.wait_indirect_dma semaphore(%arg7 : memref<!tpu.dma_semaphore, #tpu.memory_space<semaphore_mem>>) src(%dma_wait3A_590 : memref<100000xf32, #tpu.memory_space<hbm>>) dst(%dma_wait3A_585 : memref<512xf32, #tpu.memory_space<vmem>>)
    %dma_wait3A_591 = arith.constant 27 : i32
    %dma_wait3A_592 = arith.constant 27 : i32
    %dma_wait3A_593 = arith.constant 0 : i32
    %dma_wait3A_594 = tpu.memref_slice %arg6[%dma_wait3A_592, %dma_wait3A_593] : memref<32x512xf32, #tpu.memory_space<vmem>> -> memref<1x512xf32, #tpu.memory_space<vmem>>
    %dma_wait3A_595 = tpu.memref_squeeze %dma_wait3A_594 : memref<1x512xf32, #tpu.memory_space<vmem>> -> memref<512xf32, #tpu.memory_space<vmem>>
    %dma_wait3A_596 = arith.constant 0 : i32
    %dma_wait3A_597 = tpu.memref_slice %arg3[%dma_wait3A_591, %dma_wait3A_596] : memref<32x100000xf32, #tpu.memory_space<hbm>> -> memref<1x100000xf32, #tpu.memory_space<hbm>>
    %dma_wait3A_598 = tpu.memref_squeeze %dma_wait3A_597 : memref<1x100000xf32, #tpu.memory_space<hbm>> -> memref<100000xf32, #tpu.memory_space<hbm>>
    %dma_wait3A_599 = arith.constant 0 : i32
    %dma_wait3A_600 = tpu.memref_slice %dma_wait3A_598[%dma_wait3A_599] : memref<100000xf32, #tpu.memory_space<hbm>> -> memref<100000xf32, #tpu.memory_space<hbm>>
    tpu.wait_indirect_dma semaphore(%arg7 : memref<!tpu.dma_semaphore, #tpu.memory_space<semaphore_mem>>) src(%dma_wait3A_600 : memref<100000xf32, #tpu.memory_space<hbm>>) dst(%dma_wait3A_595 : memref<512xf32, #tpu.memory_space<vmem>>)
    %dma_wait3A_601 = arith.constant 28 : i32
    %dma_wait3A_602 = arith.constant 28 : i32
    %dma_wait3A_603 = arith.constant 0 : i32
    %dma_wait3A_604 = tpu.memref_slice %arg6[%dma_wait3A_602, %dma_wait3A_603] : memref<32x512xf32, #tpu.memory_space<vmem>> -> memref<1x512xf32, #tpu.memory_space<vmem>>
    %dma_wait3A_605 = tpu.memref_squeeze %dma_wait3A_604 : memref<1x512xf32, #tpu.memory_space<vmem>> -> memref<512xf32, #tpu.memory_space<vmem>>
    %dma_wait3A_606 = arith.constant 0 : i32
    %dma_wait3A_607 = tpu.memref_slice %arg3[%dma_wait3A_601, %dma_wait3A_606] : memref<32x100000xf32, #tpu.memory_space<hbm>> -> memref<1x100000xf32, #tpu.memory_space<hbm>>
    %dma_wait3A_608 = tpu.memref_squeeze %dma_wait3A_607 : memref<1x100000xf32, #tpu.memory_space<hbm>> -> memref<100000xf32, #tpu.memory_space<hbm>>
    %dma_wait3A_609 = arith.constant 0 : i32
    %dma_wait3A_610 = tpu.memref_slice %dma_wait3A_608[%dma_wait3A_609] : memref<100000xf32, #tpu.memory_space<hbm>> -> memref<100000xf32, #tpu.memory_space<hbm>>
    tpu.wait_indirect_dma semaphore(%arg7 : memref<!tpu.dma_semaphore, #tpu.memory_space<semaphore_mem>>) src(%dma_wait3A_610 : memref<100000xf32, #tpu.memory_space<hbm>>) dst(%dma_wait3A_605 : memref<512xf32, #tpu.memory_space<vmem>>)
    %dma_wait3A_611 = arith.constant 29 : i32
    %dma_wait3A_612 = arith.constant 29 : i32
    %dma_wait3A_613 = arith.constant 0 : i32
    %dma_wait3A_614 = tpu.memref_slice %arg6[%dma_wait3A_612, %dma_wait3A_613] : memref<32x512xf32, #tpu.memory_space<vmem>> -> memref<1x512xf32, #tpu.memory_space<vmem>>
    %dma_wait3A_615 = tpu.memref_squeeze %dma_wait3A_614 : memref<1x512xf32, #tpu.memory_space<vmem>> -> memref<512xf32, #tpu.memory_space<vmem>>
    %dma_wait3A_616 = arith.constant 0 : i32
    %dma_wait3A_617 = tpu.memref_slice %arg3[%dma_wait3A_611, %dma_wait3A_616] : memref<32x100000xf32, #tpu.memory_space<hbm>> -> memref<1x100000xf32, #tpu.memory_space<hbm>>
    %dma_wait3A_618 = tpu.memref_squeeze %dma_wait3A_617 : memref<1x100000xf32, #tpu.memory_space<hbm>> -> memref<100000xf32, #tpu.memory_space<hbm>>
    %dma_wait3A_619 = arith.constant 0 : i32
    %dma_wait3A_620 = tpu.memref_slice %dma_wait3A_618[%dma_wait3A_619] : memref<100000xf32, #tpu.memory_space<hbm>> -> memref<100000xf32, #tpu.memory_space<hbm>>
    tpu.wait_indirect_dma semaphore(%arg7 : memref<!tpu.dma_semaphore, #tpu.memory_space<semaphore_mem>>) src(%dma_wait3A_620 : memref<100000xf32, #tpu.memory_space<hbm>>) dst(%dma_wait3A_615 : memref<512xf32, #tpu.memory_space<vmem>>)
    %dma_wait3A_621 = arith.constant 30 : i32
    %dma_wait3A_622 = arith.constant 30 : i32
    %dma_wait3A_623 = arith.constant 0 : i32
    %dma_wait3A_624 = tpu.memref_slice %arg6[%dma_wait3A_622, %dma_wait3A_623] : memref<32x512xf32, #tpu.memory_space<vmem>> -> memref<1x512xf32, #tpu.memory_space<vmem>>
    %dma_wait3A_625 = tpu.memref_squeeze %dma_wait3A_624 : memref<1x512xf32, #tpu.memory_space<vmem>> -> memref<512xf32, #tpu.memory_space<vmem>>
    %dma_wait3A_626 = arith.constant 0 : i32
    %dma_wait3A_627 = tpu.memref_slice %arg3[%dma_wait3A_621, %dma_wait3A_626] : memref<32x100000xf32, #tpu.memory_space<hbm>> -> memref<1x100000xf32, #tpu.memory_space<hbm>>
    %dma_wait3A_628 = tpu.memref_squeeze %dma_wait3A_627 : memref<1x100000xf32, #tpu.memory_space<hbm>> -> memref<100000xf32, #tpu.memory_space<hbm>>
    %dma_wait3A_629 = arith.constant 0 : i32
    %dma_wait3A_630 = tpu.memref_slice %dma_wait3A_628[%dma_wait3A_629] : memref<100000xf32, #tpu.memory_space<hbm>> -> memref<100000xf32, #tpu.memory_space<hbm>>
    tpu.wait_indirect_dma semaphore(%arg7 : memref<!tpu.dma_semaphore, #tpu.memory_space<semaphore_mem>>) src(%dma_wait3A_630 : memref<100000xf32, #tpu.memory_space<hbm>>) dst(%dma_wait3A_625 : memref<512xf32, #tpu.memory_space<vmem>>)
    %dma_wait3A_631 = arith.constant 31 : i32
    %dma_wait3A_632 = arith.constant 31 : i32
    %dma_wait3A_633 = arith.constant 0 : i32
    %dma_wait3A_634 = tpu.memref_slice %arg6[%dma_wait3A_632, %dma_wait3A_633] : memref<32x512xf32, #tpu.memory_space<vmem>> -> memref<1x512xf32, #tpu.memory_space<vmem>>
    %dma_wait3A_635 = tpu.memref_squeeze %dma_wait3A_634 : memref<1x512xf32, #tpu.memory_space<vmem>> -> memref<512xf32, #tpu.memory_space<vmem>>
    %dma_wait3A_636 = arith.constant 0 : i32
    %dma_wait3A_637 = tpu.memref_slice %arg3[%dma_wait3A_631, %dma_wait3A_636] : memref<32x100000xf32, #tpu.memory_space<hbm>> -> memref<1x100000xf32, #tpu.memory_space<hbm>>
    %dma_wait3A_638 = tpu.memref_squeeze %dma_wait3A_637 : memref<1x100000xf32, #tpu.memory_space<hbm>> -> memref<100000xf32, #tpu.memory_space<hbm>>
    %dma_wait3A_639 = arith.constant 0 : i32
    %dma_wait3A_640 = tpu.memref_slice %dma_wait3A_638[%dma_wait3A_639] : memref<100000xf32, #tpu.memory_space<hbm>> -> memref<100000xf32, #tpu.memory_space<hbm>>
    tpu.wait_indirect_dma semaphore(%arg7 : memref<!tpu.dma_semaphore, #tpu.memory_space<semaphore_mem>>) src(%dma_wait3A_640 : memref<100000xf32, #tpu.memory_space<hbm>>) dst(%dma_wait3A_635 : memref<512xf32, #tpu.memory_space<vmem>>)
    "tpu.region"() ({
      %run_scoped3A = tpu.sem_alloc : memref<!tpu.dma_semaphore, #tpu.memory_space<semaphore_mem>>
      %dma_start3A_641 = arith.constant 0 : i32
      %dma_start3A_642 = tpu.memref_slice %arg4[%dma_start3A_641, %mul3A_2] : memref<32x16384xf32, #tpu.memory_space<hbm>> -> memref<32x512xf32, #tpu.memory_space<hbm>>
      %dma_start3A_643 = arith.constant 0 : i32
      %dma_start3A_644 = tpu.memref_slice %arg4[%dma_start3A_643, %mul3A_2] : memref<32x16384xf32, #tpu.memory_space<hbm>> -> memref<32x512xf32, #tpu.memory_space<hbm>>
      tpu.enqueue_dma source(%arg6 : memref<32x512xf32, #tpu.memory_space<vmem>>) target(%dma_start3A_644 : memref<32x512xf32, #tpu.memory_space<hbm>>) target_semaphore(%run_scoped3A : memref<!tpu.dma_semaphore, #tpu.memory_space<semaphore_mem>>)
      %dma_wait3A_645 = arith.constant 0 : i32
      %dma_wait3A_646 = tpu.memref_slice %arg4[%dma_wait3A_645, %mul3A_2] : memref<32x16384xf32, #tpu.memory_space<hbm>> -> memref<32x512xf32, #tpu.memory_space<hbm>>
      %dma_wait3A_647 = arith.constant 0 : i32
      %dma_wait3A_648 = tpu.memref_slice %arg4[%dma_wait3A_647, %mul3A_2] : memref<32x16384xf32, #tpu.memory_space<hbm>> -> memref<32x512xf32, #tpu.memory_space<hbm>>
      tpu.wait_dma2 semaphore(%run_scoped3A : memref<!tpu.dma_semaphore, #tpu.memory_space<semaphore_mem>>) src(%arg6 : memref<32x512xf32, #tpu.memory_space<vmem>>) dst(%dma_wait3A_648 : memref<32x512xf32, #tpu.memory_space<hbm>>)
      tpu.yield
    }) : () -> ()
    return
  }
}

</mosaic_0001>

<sc_bundles>
// kernel: kernel.3.cloned.1.call-start
scs
__scs_entry_jumppad:
0x0: {  	(pc) =	sbr.rel $0x88, $3  }
0x1: {  	(tag) =	ssettag $0x0;
	lr =	simm.s32 $0x1  }
0x2: {  	[smem:$0x3F9F] =	sst lr;
	_ =	strace $0xD0000000  }
0x3: {  	_ = 	snop  }
0x4: {  	_ = 	snop  }
0x5: {  	_ = 	snop  }
0x6: {  	_ = 	snop  }
0x7: {  	_ = 	snop  }
__scs_overlays_trampoline_lowered:
0x8: {  	[smem:$0x3FAE] =	sst s0  }
0x9: {  	[smem:$0x3FAF] =	sst s1  }
0xa: {  	[smem:$0x3FB0] =	sst s2  }
0xb: {  	[smem:$0x3FB1] =	sst s3  }
0xc: {  	[smem:$0x3FB2] =	sst s4  }
0xd: {  	[smem:$0x3FB3] =	sst s5  }
0xe: {  	[smem:$0x3FB4] =	sst s6  }
0xf: {  	[smem:$0x3FB5] =	sst s7  }
0x10: {  	[smem:$0x3FB6] =	sst s8  }
0x11: {  	[smem:$0x3FB7] =	sst s9;
	s0 =	simm.s32 @!p0 $0x0  }
0x12: {  	s1 =	sld [smem:$0x3F9D];
	s0 =	simm.s32 @p0 $0x1  }
0x13: {  	[smem:$0x3FB8] =	sst s0;
	s0 =	simm.s32 @!p1 $0x0  }
0x14: {  	s2 =	sld [smem:$0x3F9C];
	s0 =	simm.s32 @p1 $0x1  }
0x15: {  	[smem:$0x3FB9] =	sst s0;
	s0 =	simm.s32 @!p2 $0x0  }
0x16: {  	s3 =	sld [smem:$0x3FDB];
	s0 =	simm.s32 @p2 $0x1  }
0x17: {  	s4 =	simm.s32 $0x1BF5;
	[smem:$0x3FBB] =	sst s0  }
0x18: {  	s0 =	sld [smem:$0x3F9E];
	_ =	swait.ge [sflag:s4], $0x0  }
0x19: {  	s7 =	sld [smem:$0x3F9F]  }
0x1a: {  	s8 =	sadd.s32 $0xFFFFE003, lr  }
0x1b: {  	s9 =	sadd.s32 $0xFFFFFEF7, lr;
	s5 =	simm.s32 $0xFFFFFFFF;
	p2 =	slt.u32 s8, $0xFFFFF086  }
0x1c: {  	p1 =	slt.u32 s9, $0xF7A;
	s5 =	simm.s32 @!p2 $0x0  }
0x1d: {  	s5 =	simm.s32 @p1 $0x1;
	p0 =	seq.s32 s7, s2  }
0x1e: {  	s7 =	smul.u32 @!p0 $0xF7A, s2;
	p2 =	seq.s32 @!p0 s5, $0x0  }
0x1f: {  	s9 =	smul.u32 $0xF7A, s1;
	s8 =	simm.s32 @!p0 $0x1BF5;
	p2 =	por !p2, p0  }
0x20: {  	[sflag:s8] =	ssyncset.s32 @!p0 $0xFFFFF086;
	s6 =	sadd.s32 @!p0 s3, s7;
	s7 =	simm.s32 @!p0 $0x108  }
0x21: {  	s3 =	sadd.s32 s3, s9;
	s6 =	sadd.s32 @!p0 $0x88, s6;
	s7 =	simm.s32 @p2 $0x1082  }
0x22: {  	[simem:s7], [sflag:s8] =	dma.local @!p0 [hbm:s6], $0xF7A  }
0x23: {  	s9 =	sor.u32 $0xD0000000, s2;
	s6 =	simm.s32 $0x108;
	_ =	swait.ge @!p0 [sflag:s8], $0x0  }
0x24: {  	s3 =	sadd.s32 $0x88, s3;
	s6 =	simm.s32 @!p1 $0x1082;
	[sflag:s4] =	ssyncset.s32 $0xFFFFF086  }
0x25: {  	[simem:s6], [sflag:s4] =	dma.local [hbm:s3], $0xF7A  }
0x26: {  	[smem:$0x3F9F] =	sst s1;
	(tag) =	ssettag s2;
	_ =	strace s9  }
0x27: {  	s1 =	sld [smem:$0x3FAF]  }
0x28: {  	s2 =	sld [smem:$0x3FB0]  }
0x29: {  	s4 =	sld [smem:$0x3FB2]  }
0x2a: {  	p0 =	seq.s32 s5, $0x0;
	s5 =	sld [smem:$0x3FB3]  }
0x2b: {  	s6 =	sld [smem:$0x3FB4]  }
0x2c: {  	s7 =	sld [smem:$0x3FB5]  }
0x2d: {  	s3 =	simm.s32 $0x108;
	s8 =	sld [smem:$0x3FB6]  }
0x2e: {  	s3 =	simm.s32 @!p0 $0x1082;
	s9 =	sld [smem:$0x3FB7]  }
0x2f: {  	lr =	sadd.s32 s0, s3;
	s0 =	sld [smem:$0x3FAE]  }
0x30: {  	s3 =	sld [smem:$0x3FB1]  }
0x31: {  	[smem:$0x3FBA] =	sst s10  }
0x32: {  	s10 =	sld [smem:$0x3FB8];
	_ =	sdelay $0x3  }
0x33: {  	p0 =	seq.s32 s10, $0x1;
	s10 =	sld [smem:$0x3FBA];
	_ =	sdelay $0x3  }
0x34: {  	[smem:$0x3FBA] =	sst s10  }
0x35: {  	s10 =	sld [smem:$0x3FB9];
	_ =	sdelay $0x3  }
0x36: {  	p1 =	seq.s32 s10, $0x1;
	s10 =	sld [smem:$0x3FBA];
	_ =	sdelay $0x3  }
0x37: {  	[smem:$0x3FBA] =	sst s10  }
0x38: {  	s10 =	sld [smem:$0x3FBB]  }
0x39: {  	_ = 	snop;
	(pc) =	sbr.ind lr, $3  }
0x3a: {  	_ = 	snop  }
0x3b: {  	_ = 	snop  }
0x3c: {  	p2 =	seq.s32 s10, $0x1;
	s10 =	sld [smem:$0x3FBA]  }
0x3d: {  	_ =	shalt  }
0x3e: {  	_ =	shalt  }
0x3f: {  	_ =	shalt  }
0x40: {  	_ =	shalt  }
0x41: {  	_ =	shalt  }
0x42: {  	_ =	shalt  }
0x43: {  	_ =	shalt  }
0x44: {  	_ =	shalt  }
0x45: {  	_ =	shalt  }
0x46: {  	_ =	shalt  }
0x47: {  	_ =	shalt  }
0x48: {  	_ =	shalt  }
0x49: {  	_ =	shalt  }
0x4a: {  	_ =	shalt  }
0x4b: {  	_ =	shalt  }
0x4c: {  	_ =	shalt  }
0x4d: {  	_ =	shalt  }
0x4e: {  	_ =	shalt  }
0x4f: {  	_ =	shalt  }
0x50: {  	_ =	shalt  }
0x51: {  	_ =	shalt  }
0x52: {  	_ =	shalt  }
0x53: {  	_ =	shalt  }
0x54: {  	_ =	shalt  }
0x55: {  	_ =	shalt  }
0x56: {  	_ =	shalt  }
0x57: {  	_ =	shalt  }
0x58: {  	_ =	shalt  }
0x59: {  	_ =	shalt  }
0x5a: {  	_ =	shalt  }
0x5b: {  	_ =	shalt  }
0x5c: {  	_ =	shalt  }
0x5d: {  	_ =	shalt  }
0x5e: {  	_ =	shalt  }
0x5f: {  	_ =	shalt  }
0x60: {  	_ =	shalt  }
0x61: {  	_ =	shalt  }
0x62: {  	_ =	shalt  }
0x63: {  	_ =	shalt  }
0x64: {  	_ =	shalt  }
0x65: {  	_ =	shalt  }
0x66: {  	_ =	shalt  }
0x67: {  	_ =	shalt  }
0x68: {  	_ =	shalt  }
0x69: {  	_ =	shalt  }
0x6a: {  	_ =	shalt  }
0x6b: {  	_ =	shalt  }
0x6c: {  	_ =	shalt  }
0x6d: {  	_ =	shalt  }
0x6e: {  	_ =	shalt  }
0x6f: {  	_ =	shalt  }
0x70: {  	_ =	shalt  }
0x71: {  	_ =	shalt  }
0x72: {  	_ =	shalt  }
0x73: {  	_ =	shalt  }
0x74: {  	_ =	shalt  }
0x75: {  	_ =	shalt  }
0x76: {  	_ =	shalt  }
0x77: {  	_ =	shalt  }
0x78: {  	_ =	shalt  }
0x79: {  	_ =	shalt  }
0x7a: {  	_ =	shalt  }
0x7b: {  	_ =	shalt  }
0x7c: {  	_ =	shalt  }
0x7d: {  	_ =	shalt  }
0x7e: {  	_ =	shalt  }
0x7f: {  	_ =	shalt  }
0x80: {  	_ =	shalt  }
0x81: {  	_ =	shalt  }
0x82: {  	_ =	shalt  }
0x83: {  	_ =	shalt  }
0x84: {  	_ =	shalt  }
0x85: {  	_ =	shalt  }
0x86: {  	_ =	shalt  }
0x87: {  	_ =	shalt  }
.Lfunc_end0:
.L_simem_size_0:
called_computation_lowered:
.L_overlay_start_0:
0x88: {  	s2 =	sld [smem:$0x3FD9]  }
0x89: {  	s3 =	sld [smem:$0x3FFE];
	_ =	sdelay $0x1  }
0x8a: {  	s1 =	srdreg.scid  }
0x8b: {  	s0 =	sand.u32 $0x1, s1  }
0x8c: {  	s17 =	sshll.u32 s0, $0xA;
	s2 =	sadd.s32 s3, s2  }
0x8d: {  	s2 =	sadd.s32 s2, s17  }
0x8e: {  	[smem:$0x3FC6] =	sst s2  }
0x8f: {  	_ = 	snop  }
0x90: {  	s2 =	sld [smem:$0x3FC9];
	(tm) =	ssettm $0x1  }
0x91: {  	s18 =	sld [smem:$0x3FFB];
	_ =	sdelay $0x3  }
0x92: {  	_ =	strace s18  }
0x93: {  	s3 =	sld [smem:$0x3FFC];
	_ =	sdelay $0x3  }
0x94: {  	_ =	strace s3  }
0x95: {  	s3 =	sld [smem:$0x3FFD];
	_ =	sdelay $0x3  }
0x96: {  	_ =	strace s3  }
0x97: {  	_ =	strace $0x8FFFFFFF  }
0x98: {  	s19 =	sld [smem:$0x3FDB];
	_ =	sdelay $0x1  }
0x99: {  	s4 =	simm.s32 $_scs_section_size  }
0x9a: {  	s5 =	simm.s32 $_size__tile_overlayer_lowered;
	s6 =	simm.s32 $_tile_overlayer_lowered  }
0x9b: {  	s22 =	simm.s32 $0x1BFF;
	s21 =	sshll.u32 s6, $0x1;
	s3 =	sadd.s32 s4, s19  }
0x9c: {  	s7 =	simm.s32 $0x0;
	s20 =	sshll.u32 s5, $0x1;
	s5 =	sadd.s32 s21, s3  }
0x9d: {  	[timem:s7], [sflag:s22] =	dma.local [hbm:s5], s20  }
0x9e: {  	_ =	swait.ge [sflag:s22], s20  }
0x9f: {  	s4 =	ssub.s32 $0x0, s20;
	[sflag:s22] =	ssyncset.done $0x0  }
0xa0: {  	[sflag:s22] =	ssyncadd.s32 s4;
	_ =	sdelay $0x1  }
0xa1: {  	s23 =	simm.s32 $0x1B8B  }
0xa2: {  	_ =	swait.ge [sflag:s23], $0x1  }
0xa3: {  	[sflag:s23] =	ssyncset.done $0x0  }
0xa4: {  	s25 =	simm.s32 $0x1B8E;
	s24 =	sld [smem:$0x3FFE];
	[sflag:s23] =	ssyncadd.s32 $0xFFFFFFFF  }
0xa5: {  	s26 =	simm.s32 $execute0_lowered;
	[smem:$0x3FD2] =	sst s25  }
0xa6: {  	s5 =	sshll.u32 s26, $0x1;
	_ =	strace $0x80000046;
	[dreg:$0x1] =	wrdreg $0xFFFFFFFF  }
0xa7: {  	s28 =	simm.s32 $_size_execute0_lowered;
	s3 =	sadd.s32 s3, s5;
	[dreg:$0x0] =	wrdreg $0x0  }
0xa8: {  	s5 =	sshll.u32 s28, $0x1;
	[dreg:$0x2] =	wrdreg s3  }
0xa9: {  	[dreg:$0x3] =	wrdreg s5  }
0xaa: {  	[dreg:$0x4] =	wrdreg $0xC0  }
0xab: {  	_ =	task [dreg:s7], $0x5FFFF  }
0xac: {  	[dreg:$0x1] =	wrdreg $0xFFFFFFFF  }
0xad: {  	[dreg:$0x0] =	wrdreg $0x60  }
0xae: {  	[dreg:$0x2] =	wrdreg s2  }
0xaf: {  	[dreg:$0x3] =	wrdreg s24  }
0xb0: {  	[dreg:$0x4] =	wrdreg $0x9  }
0xb1: {  	_ =	task.clear_ibuf [dreg:s7], $0x5FFFF;
	_ =	strace $0x90000046  }
0xb2: {  	s29 =	simm.s32 $0x9;
	_ =	strace $0x80000048  }
0xb3: {  	_ =	swait.ge [sflag:s29], $0x1  }
0xb4: {  	[sflag:s29] =	ssyncadd.s32 $0xFFFFFFFF  }
0xb5: {  	_ =	strace $0x90000048  }
0xb6: {  	_ =	sfence  }
0xb7: {  	s30 =	sld [smem:$0x0];
	_ =	sdelay $0x2  }
0xb8: {  	s31 =	sshll.u32 s1, $0xD;
	s1 =	sshrl.u32 s1, $0x2  }
0xb9: {  	s3 =	sand.u32 $0x4000, s31;
	s1 =	sadd.s32 s1, s30  }
0xba: {  	s0 =	sor.u32 s3, s0;
	s1 =	sshll.u32 s1, $0x11  }
0xbb: {  	s0 =	sor.u32 s1, s0  }
0xbc: {  	s0 =	sadd.s32 $0x8F2B, s0  }
0xbd: {  	[sflag:s0] =	ssyncadd.remote.s32 $0x1  }
0xbe: {  	_ =	sfence.sel $0xFFFF  }
0xbf: {  	[dreg:$0x0] =	wrdreg $0xFFFFFFFF;
	(pc) =	sbr.abs _section_cstart, $3  }
0xc0: {  	[dreg:$0x1] =	wrdreg $0xFFFFFFFF  }
0xc1: {  	_ =	task.clear_ibuf [dreg:s7], $0x2FFFF;
	_ =	strace $0x9FFFFFFF  }
0xc2: {  	(tm) =	ssettm $0x7FFFFFFF  }
0xc3: {  	_ =	shalt  }
tec
execute0_lowered:
.L_overlay_start_1:
0x0: {  	(tag) =	ssettag $0x1  }
0x1: {  	s5 =	rddreg [dreg:$0x0]  }
0x2: {  	s3 =	rddreg [dreg:$0x1];
	s2 =	simm.s32 $0x0;
	s1 =	stileid.u32  }
0x3: {  	[smem:$0x7FF] =	sst s2;
	s4 =	sshll.u32 s1, $0x7;
	s7 =	sadd.s32 $0x400, s3  }
0x4: {  	s1 =	sadd.s32 $0x34D4, s3;
	_ =	strace $0x80000047;
	[dreg:$0x3] =	wrdreg s7  }
0x5: {  	s8 =	sadd.s32 $0xC750, s3;
	[dreg:$0x5] =	wrdreg s1  }
0x6: {  	s9 =	sadd.s32 $0xF824, s3;
	[dreg:$0x8] =	wrdreg s8  }
0x7: {  	s10 =	sadd.s32 $0x128F8, s3;
	[dreg:$0x9] =	wrdreg s9  }
0x8: {  	s11 =	sadd.s32 $0x159CC, s3;
	[dreg:$0xa] =	wrdreg s10  }
0x9: {  	s12 =	sadd.s32 $0x18AA0, s3;
	[dreg:$0xb] =	wrdreg s11  }
0xa: {  	s13 =	sadd.s32 $0x1BB74, s3;
	[dreg:$0xc] =	wrdreg s12  }
0xb: {  	s14 =	sadd.s32 $0x1EC48, s3;
	[dreg:$0xd] =	wrdreg s13  }
0xc: {  	s15 =	sadd.s32 $0x21D1C, s3;
	[dreg:$0xe] =	wrdreg s14  }
0xd: {  	s16 =	sadd.s32 $0x24DF0, s3;
	[dreg:$0xf] =	wrdreg s15  }
0xe: {  	s17 =	sadd.s32 $0x27EC4, s3;
	[dreg:$0x10] =	wrdreg s16  }
0xf: {  	s18 =	sadd.s32 $0x2AF98, s3;
	[dreg:$0x11] =	wrdreg s17  }
0x10: {  	s19 =	sadd.s32 $0x2E06C, s3;
	[dreg:$0x12] =	wrdreg s18  }
0x11: {  	s20 =	sadd.s32 $0x31140, s3;
	[dreg:$0x13] =	wrdreg s19  }
0x12: {  	s21 =	sadd.s32 $0x34214, s3;
	[dreg:$0x14] =	wrdreg s20  }
0x13: {  	s22 =	sadd.s32 $0x372E8, s3;
	[dreg:$0x15] =	wrdreg s21  }
0x14: {  	s23 =	sadd.s32 $0x3A3BC, s3;
	[dreg:$0x16] =	wrdreg s22  }
0x15: {  	s24 =	sadd.s32 $0x3D490, s3;
	[dreg:$0x17] =	wrdreg s23  }
0x16: {  	s25 =	sadd.s32 $0x40564, s3;
	[dreg:$0x18] =	wrdreg s24  }
0x17: {  	s26 =	sadd.s32 $0x43638, s3;
	[dreg:$0x19] =	wrdreg s25  }
0x18: {  	s7 =	sadd.s32 $0x967C, s3;
	[dreg:$0x1a] =	wrdreg s26  }
0x19: {  	s1 =	sadd.s32 $0x4670C, s3;
	[dreg:$0x7] =	wrdreg s7  }
0x1a: {  	s8 =	sadd.s32 $0x4F988, s3;
	[dreg:$0x1b] =	wrdreg s1  }
0x1b: {  	s9 =	sadd.s32 $0x52A5C, s3;
	[dreg:$0x1e] =	wrdreg s8  }
0x1c: {  	s10 =	sadd.s32 $0x55B30, s3;
	[dreg:$0x1f] =	wrdreg s9  }
0x1d: {  	s11 =	sadd.s32 $0x58C04, s3;
	[smem:$0x7FA] =	sst s10  }
0x1e: {  	s12 =	sadd.s32 $0x5BCD8, s3;
	[smem:$0x7FB] =	sst s11  }
0x1f: {  	s14 =	simm.s32 $0x400;
	[smem:$0x7FC] =	sst s12  }
0x20: {  	s15 =	simm.s32 $0x600;
	[smem:$0x7F7] =	sst s14  }
0x21: {  	s16 =	simm.s32 $0x800;
	[smem:$0x7F8] =	sst s15  }
0x22: {  	s0 =	srdreg.scid;
	s17 =	simm.s32 $0xA00;
	[smem:$0x7F9] =	sst s16  }
0x23: {  	s0 =	sand.u32 $0x1, s0;
	s18 =	simm.s32 $0xC00;
	[smem:$0x7F6] =	sst s17  }
0x24: {  	s6 =	sshll.u32 s0, $0x6;
	s20 =	simm.s32 $0xE00;
	[smem:$0x7F5] =	sst s18  }
0x25: {  	s4 =	sor.u32 s6, s4;
	s6 =	sadd.s32 $0x65A8, s3;
	[smem:$0x7F4] =	sst s20  }
0x26: {  	s7 =	sadd.s32 $0x4C8B4, s3;
	[dreg:$0x6] =	wrdreg s6  }
0x27: {  	s5 =	sadd.s32 s5, s4;
	[dreg:$0x1d] =	wrdreg s7  }
0x28: {  	s6 =	sadd.s32 $0x497E0, s3;
	[dreg:$0x4] =	wrdreg s5  }
0x29: {  	s4 =	sadd.s32 s4, s3;
	s3 =	sadd.s32 $0x5EDAC, s3;
	[dreg:$0x1c] =	wrdreg s6  }
0x2a: {  	[smem:$0x7FD] =	sst s3;
	s13 =	sadd.s32 $0x62000, s4  }
0x2b: {  	[smem:$0x7F3] =	sst s13  }
0x2c: {  	s3 =	simm.s32 $0x2;
	s19 =	rddreg [dreg:$0x4]  }
0x2d: {  	[tilespmem:s2], [sflag:$0x2] =	stream.linear.gather [hbm4b:s19+s2], $0x200, $0x38;
	[tilespmem:$0x4200] =	vst v63  }
0x2e: {  	_ =	swait.ge [sflag:s3], $0x200  }
0x2f: {  	s21 =	sld [smem:$0x7F4]  }
0x30: {  	s22 =	sld [smem:$0x7F5]  }
0x31: {  	s23 =	sld [smem:$0x7F6]  }
0x32: {  	s8 =	rddreg [dreg:$0x5]  }
0x33: {  	s9 =	sld [smem:$0x7F7]  }
0x34: {  	s10 =	rddreg [dreg:$0x3]  }
0x35: {  	[sflag:s3] =	ssyncset.done $0x0;
	s11 =	sld [smem:$0x7F8]  }
0x36: {  	s4 =	simm.s32 $0x200;
	s12 =	sld [smem:$0x7F9];
	[sflag:s3] =	ssyncadd.s32 $0xFFFFFE00  }
0x37: {  	[tilespmem:s4], [sflag:$0x1] =	stream.indirect.gather [hbm4b:s10+s4], $0x1, s2, s4, $0xb8;
	[tilespmem:$0x4200] =	vst v63  }
0x38: {  	s24 =	rddreg [dreg:$0x6]  }
0x39: {  	[tilespmem:s9], [sflag:$0x1] =	stream.indirect.gather [hbm4b:s8+s4], $0x1, s2, s4, $0xb8;
	[tilespmem:$0x4200] =	vst v63  }
0x3a: {  	s25 =	rddreg [dreg:$0x7]  }
0x3b: {  	[tilespmem:s11], [sflag:$0x1] =	stream.indirect.gather [hbm4b:s24+s4], $0x1, s2, s4, $0xb8;
	[tilespmem:$0x4200] =	vst v63  }
0x3c: {  	s26 =	rddreg [dreg:$0x8]  }
0x3d: {  	[tilespmem:s12], [sflag:$0x1] =	stream.indirect.gather [hbm4b:s25+s4], $0x1, s2, s4, $0xb8;
	[tilespmem:$0x4200] =	vst v63  }
0x3e: {  	s1 =	rddreg [dreg:$0x9]  }
0x3f: {  	[tilespmem:s23], [sflag:$0x1] =	stream.indirect.gather [hbm4b:s26+s4], $0x1, s2, s4, $0xb8;
	[tilespmem:$0x4200] =	vst v63  }
0x40: {  	s13 =	rddreg [dreg:$0xc]  }
0x41: {  	[tilespmem:s22], [sflag:$0x1] =	stream.indirect.gather [hbm4b:s1+s4], $0x1, s2, s4, $0xb8;
	[tilespmem:$0x4200] =	vst v63  }
0x42: {  	s10 =	rddreg [dreg:$0xa]  }
0x43: {  	[tilespmem:s21], [sflag:$0x1] =	stream.indirect.gather [hbm4b:s10+s4], $0x1, s2, s4, $0xb8;
	[tilespmem:$0x4200] =	vst v63  }
0x44: {  	s11 =	rddreg [dreg:$0xb];
	s12 =	simm.s32 $0x1000  }
0x45: {  	[tilespmem:s12], [sflag:$0x1] =	stream.indirect.gather [hbm4b:s11+s4], $0x1, s2, s4, $0xb8;
	[tilespmem:$0x4200] =	vst v63  }
0x46: {  	s14 =	simm.s32 $0x1200;
	s15 =	rddreg [dreg:$0xd]  }
0x47: {  	[tilespmem:s14], [sflag:$0x1] =	stream.indirect.gather [hbm4b:s13+s4], $0x1, s2, s4, $0xb8;
	[tilespmem:$0x4200] =	vst v63  }
0x48: {  	s16 =	simm.s32 $0x1400;
	s17 =	rddreg [dreg:$0xe]  }
0x49: {  	[tilespmem:s16], [sflag:$0x1] =	stream.indirect.gather [hbm4b:s15+s4], $0x1, s2, s4, $0xb8;
	[tilespmem:$0x4200] =	vst v63  }
0x4a: {  	s18 =	simm.s32 $0x1600;
	s19 =	rddreg [dreg:$0xf]  }
0x4b: {  	[tilespmem:s18], [sflag:$0x1] =	stream.indirect.gather [hbm4b:s17+s4], $0x1, s2, s4, $0xb8;
	[tilespmem:$0x4200] =	vst v63  }
0x4c: {  	s20 =	simm.s32 $0x1800;
	s5 =	rddreg [dreg:$0x1e]  }
0x4d: {  	[tilespmem:s20], [sflag:$0x1] =	stream.indirect.gather [hbm4b:s19+s4], $0x1, s2, s4, $0xb8;
	[tilespmem:$0x4200] =	vst v63  }
0x4e: {  	s22 =	simm.s32 $0x1A00;
	s21 =	rddreg [dreg:$0x10]  }
0x4f: {  	[tilespmem:s22], [sflag:$0x1] =	stream.indirect.gather [hbm4b:s21+s4], $0x1, s2, s4, $0xb8;
	[tilespmem:$0x4200] =	vst v63  }
0x50: {  	s24 =	simm.s32 $0x1C00;
	s23 =	rddreg [dreg:$0x11]  }
0x51: {  	[tilespmem:s24], [sflag:$0x1] =	stream.indirect.gather [hbm4b:s23+s4], $0x1, s2, s4, $0xb8;
	[tilespmem:$0x4200] =	vst v63  }
0x52: {  	s12 =	simm.s32 $0x1E00;
	s13 =	rddreg [dreg:$0x12]  }
0x53: {  	[tilespmem:s12], [sflag:$0x1] =	stream.indirect.gather [hbm4b:s13+s4], $0x1, s2, s4, $0xb8;
	[tilespmem:$0x4200] =	vst v63  }
0x54: {  	s14 =	rddreg [dreg:$0x13];
	s13 =	simm.s32 $0x2000  }
0x55: {  	[tilespmem:s13], [sflag:$0x1] =	stream.indirect.gather [hbm4b:s14+s4], $0x1, s2, s4, $0xb8;
	[tilespmem:$0x4200] =	vst v63  }
0x56: {  	s15 =	rddreg [dreg:$0x14];
	s14 =	simm.s32 $0x2200  }
0x57: {  	[tilespmem:s14], [sflag:$0x1] =	stream.indirect.gather [hbm4b:s15+s4], $0x1, s2, s4, $0xb8;
	[tilespmem:$0x4200] =	vst v63  }
0x58: {  	s16 =	rddreg [dreg:$0x15];
	s15 =	simm.s32 $0x2400  }
0x59: {  	[tilespmem:s15], [sflag:$0x1] =	stream.indirect.gather [hbm4b:s16+s4], $0x1, s2, s4, $0xb8;
	[tilespmem:$0x4200] =	vst v63  }
0x5a: {  	s17 =	rddreg [dreg:$0x16];
	s16 =	simm.s32 $0x2600  }
0x5b: {  	[tilespmem:s16], [sflag:$0x1] =	stream.indirect.gather [hbm4b:s17+s4], $0x1, s2, s4, $0xb8;
	[tilespmem:$0x4200] =	vst v63  }
0x5c: {  	s18 =	rddreg [dreg:$0x17];
	s17 =	simm.s32 $0x2800  }
0x5d: {  	[tilespmem:s17], [sflag:$0x1] =	stream.indirect.gather [hbm4b:s18+s4], $0x1, s2, s4, $0xb8;
	[tilespmem:$0x4200] =	vst v63  }
0x5e: {  	s19 =	rddreg [dreg:$0x18];
	s18 =	simm.s32 $0x2A00  }
0x5f: {  	[tilespmem:s18], [sflag:$0x1] =	stream.indirect.gather [hbm4b:s19+s4], $0x1, s2, s4, $0xb8;
	[tilespmem:$0x4200] =	vst v63  }
0x60: {  	s20 =	rddreg [dreg:$0x19];
	s19 =	simm.s32 $0x2C00  }
0x61: {  	[tilespmem:s19], [sflag:$0x1] =	stream.indirect.gather [hbm4b:s20+s4], $0x1, s2, s4, $0xb8;
	[tilespmem:$0x4200] =	vst v63  }
0x62: {  	s22 =	rddreg [dreg:$0x1a];
	s21 =	simm.s32 $0x2E00  }
0x63: {  	[tilespmem:s21], [sflag:$0x1] =	stream.indirect.gather [hbm4b:s22+s4], $0x1, s2, s4, $0xb8;
	[tilespmem:$0x4200] =	vst v63  }
0x64: {  	s25 =	rddreg [dreg:$0x1b];
	s23 =	simm.s32 $0x3000  }
0x65: {  	[tilespmem:s23], [sflag:$0x1] =	stream.indirect.gather [hbm4b:s25+s4], $0x1, s2, s4, $0xb8;
	[tilespmem:$0x4200] =	vst v63  }
0x66: {  	s26 =	rddreg [dreg:$0x1c];
	s24 =	simm.s32 $0x3200  }
0x67: {  	[tilespmem:s24], [sflag:$0x1] =	stream.indirect.gather [hbm4b:s26+s4], $0x1, s2, s4, $0xb8;
	[tilespmem:$0x4200] =	vst v63  }
0x68: {  	s1 =	rddreg [dreg:$0x1d];
	s25 =	simm.s32 $0x3400  }
0x69: {  	[tilespmem:s25], [sflag:$0x1] =	stream.indirect.gather [hbm4b:s1+s4], $0x1, s2, s4, $0xb8;
	[tilespmem:$0x4200] =	vst v63  }
0x6a: {  	s6 =	rddreg [dreg:$0x1f];
	s26 =	simm.s32 $0x3600  }
0x6b: {  	[tilespmem:s26], [sflag:$0x1] =	stream.indirect.gather [hbm4b:s5+s4], $0x1, s2, s4, $0xb8;
	[tilespmem:$0x4200] =	vst v63  }
0x6c: {  	s28 =	simm.s32 $0x3800;
	s7 =	sld [smem:$0x7FA]  }
0x6d: {  	[tilespmem:s28], [sflag:$0x1] =	stream.indirect.gather [hbm4b:s6+s4], $0x1, s2, s4, $0xb8;
	[tilespmem:$0x4200] =	vst v63  }
0x6e: {  	s29 =	simm.s32 $0x3A00;
	s8 =	sld [smem:$0x7FB]  }
0x6f: {  	[tilespmem:s29], [sflag:$0x1] =	stream.indirect.gather [hbm4b:s7+s4], $0x1, s2, s4, $0xb8;
	[tilespmem:$0x4200] =	vst v63  }
0x70: {  	s30 =	simm.s32 $0x3C00;
	s9 =	sld [smem:$0x7FC]  }
0x71: {  	[tilespmem:s30], [sflag:$0x1] =	stream.indirect.gather [hbm4b:s8+s4], $0x1, s2, s4, $0xb8;
	[tilespmem:$0x4200] =	vst v63  }
0x72: {  	s31 =	simm.s32 $0x3E00;
	s10 =	sld [smem:$0x7FD]  }
0x73: {  	[tilespmem:s31], [sflag:$0x1] =	stream.indirect.gather [hbm4b:s9+s4], $0x1, s2, s4, $0xb8;
	[tilespmem:$0x4200] =	vst v63  }
0x74: {  	s20 =	simm.s32 $0x4000;
	s22 =	simm.s32 $0x1  }
0x75: {  	[tilespmem:s20], [sflag:$0x1] =	stream.indirect.gather [hbm4b:s10+s4], $0x1, s2, s4, $0xb8;
	[tilespmem:$0x4200] =	vst v63  }
0x76: {  	_ =	swait.ge [sflag:s22], $0x200  }
0x77: {  	[sflag:s22] =	ssyncset.done $0x0  }
0x78: {  	[sflag:s22] =	ssyncadd.s32 $0xFFFFFE00  }
0x79: {  	_ =	swait.ge [sflag:s22], $0x200  }
0x7a: {  	[sflag:s22] =	ssyncset.done $0x0  }
0x7b: {  	[sflag:s22] =	ssyncadd.s32 $0xFFFFFE00  }
0x7c: {  	_ =	swait.ge [sflag:s22], $0x200  }
0x7d: {  	[sflag:s22] =	ssyncset.done $0x0  }
0x7e: {  	[sflag:s22] =	ssyncadd.s32 $0xFFFFFE00  }
0x7f: {  	_ =	swait.ge [sflag:s22], $0x200  }
0x80: {  	[sflag:s22] =	ssyncset.done $0x0  }
0x81: {  	[sflag:s22] =	ssyncadd.s32 $0xFFFFFE00  }
0x82: {  	_ =	swait.ge [sflag:s22], $0x200  }
0x83: {  	[sflag:s22] =	ssyncset.done $0x0  }
0x84: {  	[sflag:s22] =	ssyncadd.s32 $0xFFFFFE00  }
0x85: {  	_ =	swait.ge [sflag:s22], $0x200  }
0x86: {  	[sflag:s22] =	ssyncset.done $0x0  }
0x87: {  	[sflag:s22] =	ssyncadd.s32 $0xFFFFFE00  }
0x88: {  	_ =	swait.ge [sflag:s22], $0x200  }
0x89: {  	[sflag:s22] =	ssyncset.done $0x0  }
0x8a: {  	[sflag:s22] =	ssyncadd.s32 $0xFFFFFE00  }
0x8b: {  	_ =	swait.ge [sflag:s22], $0x200  }
0x8c: {  	[sflag:s22] =	ssyncset.done $0x0  }
0x8d: {  	[sflag:s22] =	ssyncadd.s32 $0xFFFFFE00  }
0x8e: {  	_ =	swait.ge [sflag:s22], $0x200  }
0x8f: {  	[sflag:s22] =	ssyncset.done $0x0  }
0x90: {  	[sflag:s22] =	ssyncadd.s32 $0xFFFFFE00  }
0x91: {  	_ =	swait.ge [sflag:s22], $0x200  }
0x92: {  	[sflag:s22] =	ssyncset.done $0x0  }
0x93: {  	[sflag:s22] =	ssyncadd.s32 $0xFFFFFE00  }
0x94: {  	_ =	swait.ge [sflag:s22], $0x200  }
0x95: {  	[sflag:s22] =	ssyncset.done $0x0  }
0x96: {  	[sflag:s22] =	ssyncadd.s32 $0xFFFFFE00  }
0x97: {  	_ =	swait.ge [sflag:s22], $0x200  }
0x98: {  	[sflag:s22] =	ssyncset.done $0x0  }
0x99: {  	[sflag:s22] =	ssyncadd.s32 $0xFFFFFE00  }
0x9a: {  	_ =	swait.ge [sflag:s22], $0x200  }
0x9b: {  	[sflag:s22] =	ssyncset.done $0x0  }
0x9c: {  	[sflag:s22] =	ssyncadd.s32 $0xFFFFFE00  }
0x9d: {  	_ =	swait.ge [sflag:s22], $0x200  }
0x9e: {  	[sflag:s22] =	ssyncset.done $0x0  }
0x9f: {  	[sflag:s22] =	ssyncadd.s32 $0xFFFFFE00  }
0xa0: {  	_ =	swait.ge [sflag:s22], $0x200  }
0xa1: {  	[sflag:s22] =	ssyncset.done $0x0  }
0xa2: {  	[sflag:s22] =	ssyncadd.s32 $0xFFFFFE00  }
0xa3: {  	_ =	swait.ge [sflag:s22], $0x200  }
0xa4: {  	[sflag:s22] =	ssyncset.done $0x0  }
0xa5: {  	[sflag:s22] =	ssyncadd.s32 $0xFFFFFE00  }
0xa6: {  	_ =	swait.ge [sflag:s22], $0x200  }
0xa7: {  	[sflag:s22] =	ssyncset.done $0x0  }
0xa8: {  	[sflag:s22] =	ssyncadd.s32 $0xFFFFFE00  }
0xa9: {  	_ =	swait.ge [sflag:s22], $0x200  }
0xaa: {  	[sflag:s22] =	ssyncset.done $0x0  }
0xab: {  	[sflag:s22] =	ssyncadd.s32 $0xFFFFFE00  }
0xac: {  	_ =	swait.ge [sflag:s22], $0x200  }
0xad: {  	[sflag:s22] =	ssyncset.done $0x0  }
0xae: {  	[sflag:s22] =	ssyncadd.s32 $0xFFFFFE00  }
0xaf: {  	_ =	swait.ge [sflag:s22], $0x200  }
0xb0: {  	[sflag:s22] =	ssyncset.done $0x0  }
0xb1: {  	[sflag:s22] =	ssyncadd.s32 $0xFFFFFE00  }
0xb2: {  	s0 =	ssub.s32 $0x2, s0;
	_ =	swait.ge [sflag:s22], $0x200  }
0xb3: {  	s11 =	sshrl.u32 s0, $0x1;
	[sflag:s22] =	ssyncset.done $0x0  }
0xb4: {  	s0 =	ssub.s32 s0, s11;
	[sflag:s22] =	ssyncadd.s32 $0xFFFFFE00  }
0xb5: {  	s0 =	smax.u32 s0, $0x1;
	_ =	swait.ge [sflag:s22], $0x200  }
0xb6: {  	p0 =	sne.s32 s0, $0x1;
	[sflag:s22] =	ssyncset.done $0x0  }
.Ltmp0:
0xb7: {  	[sflag:s22] =	ssyncadd.s32 $0xFFFFFE00;
	(pc) =	sbr.rel @!p0 .LBB2_2-.Ltmp0, $4  }
0xb8: {  	_ =	swait.ge [sflag:s22], $0x200  }
0xb9: {  	[sflag:s22] =	ssyncset.done $0x0  }
0xba: {  	[sflag:s22] =	ssyncadd.s32 $0xFFFFFE00  }
0xbb: {  	s0 =	sadd.s32 $0xFFFFFFFF, s0;
	_ =	swait.ge [sflag:s22], $0x200  }
.LBB2_1:
0xbc: {  	[sflag:s22] =	ssyncset.done $0x0  }
0xbd: {  	[sflag:s22] =	ssyncadd.s32 $0xFFFFFE00  }
0xbe: {  	_ =	swait.ge [sflag:s22], $0x200  }
0xbf: {  	[sflag:s22] =	ssyncset.done $0x0  }
0xc0: {  	[sflag:s22] =	ssyncadd.s32 $0xFFFFFE00  }
0xc1: {  	_ =	swait.ge [sflag:s22], $0x200  }
0xc2: {  	[sflag:s22] =	ssyncset.done $0x0  }
0xc3: {  	[sflag:s22] =	ssyncadd.s32 $0xFFFFFE00  }
0xc4: {  	_ =	swait.ge [sflag:s22], $0x200  }
0xc5: {  	[sflag:s22] =	ssyncset.done $0x0  }
0xc6: {  	[sflag:s22] =	ssyncadd.s32 $0xFFFFFE00  }
0xc7: {  	_ =	swait.ge [sflag:s22], $0x200  }
0xc8: {  	[sflag:s22] =	ssyncset.done $0x0  }
0xc9: {  	[sflag:s22] =	ssyncadd.s32 $0xFFFFFE00  }
0xca: {  	_ =	swait.ge [sflag:s22], $0x200  }
0xcb: {  	[sflag:s22] =	ssyncset.done $0x0  }
0xcc: {  	[sflag:s22] =	ssyncadd.s32 $0xFFFFFE00  }
0xcd: {  	_ =	swait.ge [sflag:s22], $0x200  }
0xce: {  	[sflag:s22] =	ssyncset.done $0x0  }
0xcf: {  	[sflag:s22] =	ssyncadd.s32 $0xFFFFFE00  }
0xd0: {  	_ =	swait.ge [sflag:s22], $0x200  }
0xd1: {  	[sflag:s22] =	ssyncset.done $0x0  }
0xd2: {  	[sflag:s22] =	ssyncadd.s32 $0xFFFFFE00  }
0xd3: {  	_ =	swait.ge [sflag:s22], $0x200  }
0xd4: {  	s1 =	sld [smem:$0x7F3]  }
0xd5: {  	[sflag:s22] =	ssyncset.done $0x0  }
0xd6: {  	[sflag:s22] =	ssyncadd.s32 $0xFFFFFE00  }
0xd7: {  	[hbm4b:s1+s4] =	stream.strided.scatter [tilespmem:s4], [sflag:$0x2], $0x4000, s20, s4, $0x38;
	[tilespmem:$0x4200] =	vst v63  }
0xd8: {  	_ =	swait.ge [sflag:s3], $0x4000  }
0xd9: {  	[sflag:s3] =	ssyncset.done $0x0  }
0xda: {  	s7 =	rddreg [dreg:$0x4];
	[sflag:s3] =	ssyncadd.s32 $0xFFFFC000  }
0xdb: {  	[tilespmem:s2], [sflag:$0x2] =	stream.linear.gather [hbm4b:s7+s2], $0x200, $0x38;
	[tilespmem:$0x4200] =	vst v63  }
0xdc: {  	_ =	swait.ge [sflag:s3], $0x200  }
0xdd: {  	s1 =	sld [smem:$0x7F4]  }
0xde: {  	s5 =	sld [smem:$0x7F5]  }
0xdf: {  	s6 =	sld [smem:$0x7F6]  }
0xe0: {  	s7 =	rddreg [dreg:$0x5]  }
0xe1: {  	s8 =	sld [smem:$0x7F7]  }
0xe2: {  	s9 =	rddreg [dreg:$0x3]  }
0xe3: {  	[sflag:s3] =	ssyncset.done $0x0;
	s10 =	sld [smem:$0x7F8]  }
0xe4: {  	s11 =	sld [smem:$0x7F9];
	[sflag:s3] =	ssyncadd.s32 $0xFFFFFE00  }
0xe5: {  	[tilespmem:s4], [sflag:$0x1] =	stream.indirect.gather [hbm4b:s9+s4], $0x1, s2, s4, $0xb8;
	[tilespmem:$0x4200] =	vst v63  }
0xe6: {  	s9 =	rddreg [dreg:$0x6]  }
0xe7: {  	[tilespmem:s8], [sflag:$0x1] =	stream.indirect.gather [hbm4b:s7+s4], $0x1, s2, s4, $0xb8;
	[tilespmem:$0x4200] =	vst v63  }
0xe8: {  	s8 =	rddreg [dreg:$0x7]  }
0xe9: {  	[tilespmem:s10], [sflag:$0x1] =	stream.indirect.gather [hbm4b:s9+s4], $0x1, s2, s4, $0xb8;
	[tilespmem:$0x4200] =	vst v63  }
0xea: {  	s7 =	rddreg [dreg:$0xb]  }
0xeb: {  	[tilespmem:s11], [sflag:$0x1] =	stream.indirect.gather [hbm4b:s8+s4], $0x1, s2, s4, $0xb8;
	[tilespmem:$0x4200] =	vst v63  }
0xec: {  	s9 =	rddreg [dreg:$0x8]  }
0xed: {  	[tilespmem:s6], [sflag:$0x1] =	stream.indirect.gather [hbm4b:s9+s4], $0x1, s2, s4, $0xb8;
	[tilespmem:$0x4200] =	vst v63  }
0xee: {  	s10 =	rddreg [dreg:$0x9]  }
0xef: {  	[tilespmem:s5], [sflag:$0x1] =	stream.indirect.gather [hbm4b:s10+s4], $0x1, s2, s4, $0xb8;
	[tilespmem:$0x4200] =	vst v63  }
0xf0: {  	s11 =	rddreg [dreg:$0xa]  }
0xf1: {  	[tilespmem:s1], [sflag:$0x1] =	stream.indirect.gather [hbm4b:s11+s4], $0x1, s2, s4, $0xb8;
	[tilespmem:$0x4200] =	vst v63  }
0xf2: {  	s8 =	rddreg [dreg:$0xc];
	s9 =	simm.s32 $0x1000  }
0xf3: {  	[tilespmem:s9], [sflag:$0x1] =	stream.indirect.gather [hbm4b:s7+s4], $0x1, s2, s4, $0xb8;
	[tilespmem:$0x4200] =	vst v63  }
0xf4: {  	s6 =	rddreg [dreg:$0x18];
	s11 =	simm.s32 $0x1200  }
0xf5: {  	[tilespmem:s11], [sflag:$0x1] =	stream.indirect.gather [hbm4b:s8+s4], $0x1, s2, s4, $0xb8;
	[tilespmem:$0x4200] =	vst v63  }
0xf6: {  	s10 =	rddreg [dreg:$0xd];
	s8 =	simm.s32 $0x1400  }
0xf7: {  	[tilespmem:s8], [sflag:$0x1] =	stream.indirect.gather [hbm4b:s10+s4], $0x1, s2, s4, $0xb8;
	[tilespmem:$0x4200] =	vst v63  }
0xf8: {  	s7 =	rddreg [dreg:$0xe];
	s10 =	simm.s32 $0x1600  }
0xf9: {  	[tilespmem:s10], [sflag:$0x1] =	stream.indirect.gather [hbm4b:s7+s4], $0x1, s2, s4, $0xb8;
	[tilespmem:$0x4200] =	vst v63  }
0xfa: {  	s9 =	rddreg [dreg:$0xf];
	s7 =	simm.s32 $0x1800  }
0xfb: {  	[tilespmem:s7], [sflag:$0x1] =	stream.indirect.gather [hbm4b:s9+s4], $0x1, s2, s4, $0xb8;
	[tilespmem:$0x4200] =	vst v63  }
0xfc: {  	s11 =	rddreg [dreg:$0x10];
	s9 =	simm.s32 $0x1A00  }
0xfd: {  	[tilespmem:s9], [sflag:$0x1] =	stream.indirect.gather [hbm4b:s11+s4], $0x1, s2, s4, $0xb8;
	[tilespmem:$0x4200] =	vst v63  }
0xfe: {  	s8 =	rddreg [dreg:$0x11];
	s11 =	simm.s32 $0x1C00  }
0xff: {  	[tilespmem:s11], [sflag:$0x1] =	stream.indirect.gather [hbm4b:s8+s4], $0x1, s2, s4, $0xb8;
	[tilespmem:$0x4200] =	vst v63  }
0x100: {  	s10 =	rddreg [dreg:$0x12]  }
0x101: {  	[tilespmem:s12], [sflag:$0x1] =	stream.indirect.gather [hbm4b:s10+s4], $0x1, s2, s4, $0xb8;
	[tilespmem:$0x4200] =	vst v63  }
0x102: {  	s7 =	rddreg [dreg:$0x13]  }
0x103: {  	[tilespmem:s13], [sflag:$0x1] =	stream.indirect.gather [hbm4b:s7+s4], $0x1, s2, s4, $0xb8;
	[tilespmem:$0x4200] =	vst v63  }
0x104: {  	s8 =	rddreg [dreg:$0x14]  }
0x105: {  	[tilespmem:s14], [sflag:$0x1] =	stream.indirect.gather [hbm4b:s8+s4], $0x1, s2, s4, $0xb8;
	[tilespmem:$0x4200] =	vst v63  }
0x106: {  	s9 =	rddreg [dreg:$0x15]  }
0x107: {  	[tilespmem:s15], [sflag:$0x1] =	stream.indirect.gather [hbm4b:s9+s4], $0x1, s2, s4, $0xb8;
	[tilespmem:$0x4200] =	vst v63  }
0x108: {  	s10 =	rddreg [dreg:$0x16]  }
0x109: {  	[tilespmem:s16], [sflag:$0x1] =	stream.indirect.gather [hbm4b:s10+s4], $0x1, s2, s4, $0xb8;
	[tilespmem:$0x4200] =	vst v63  }
0x10a: {  	s11 =	rddreg [dreg:$0x17]  }
0x10b: {  	[tilespmem:s17], [sflag:$0x1] =	stream.indirect.gather [hbm4b:s11+s4], $0x1, s2, s4, $0xb8;
	[tilespmem:$0x4200] =	vst v63  }
0x10c: {  	s7 =	rddreg [dreg:$0x19]  }
0x10d: {  	[tilespmem:s18], [sflag:$0x1] =	stream.indirect.gather [hbm4b:s6+s4], $0x1, s2, s4, $0xb8;
	[tilespmem:$0x4200] =	vst v63  }
0x10e: {  	s8 =	rddreg [dreg:$0x1a]  }
0x10f: {  	[tilespmem:s19], [sflag:$0x1] =	stream.indirect.gather [hbm4b:s7+s4], $0x1, s2, s4, $0xb8;
	[tilespmem:$0x4200] =	vst v63  }
0x110: {  	s9 =	rddreg [dreg:$0x1b]  }
0x111: {  	[tilespmem:s21], [sflag:$0x1] =	stream.indirect.gather [hbm4b:s8+s4], $0x1, s2, s4, $0xb8;
	[tilespmem:$0x4200] =	vst v63  }
0x112: {  	s10 =	rddreg [dreg:$0x1c]  }
0x113: {  	[tilespmem:s23], [sflag:$0x1] =	stream.indirect.gather [hbm4b:s9+s4], $0x1, s2, s4, $0xb8;
	[tilespmem:$0x4200] =	vst v63  }
0x114: {  	s11 =	rddreg [dreg:$0x1d]  }
0x115: {  	[tilespmem:s24], [sflag:$0x1] =	stream.indirect.gather [hbm4b:s10+s4], $0x1, s2, s4, $0xb8;
	[tilespmem:$0x4200] =	vst v63  }
0x116: {  	s6 =	rddreg [dreg:$0x1e]  }
0x117: {  	[tilespmem:s25], [sflag:$0x1] =	stream.indirect.gather [hbm4b:s11+s4], $0x1, s2, s4, $0xb8;
	[tilespmem:$0x4200] =	vst v63  }
0x118: {  	s7 =	rddreg [dreg:$0x1f]  }
0x119: {  	[tilespmem:s26], [sflag:$0x1] =	stream.indirect.gather [hbm4b:s6+s4], $0x1, s2, s4, $0xb8;
	[tilespmem:$0x4200] =	vst v63  }
0x11a: {  	s8 =	sld [smem:$0x7FA]  }
0x11b: {  	[tilespmem:s28], [sflag:$0x1] =	stream.indirect.gather [hbm4b:s7+s4], $0x1, s2, s4, $0xb8;
	[tilespmem:$0x4200] =	vst v63  }
0x11c: {  	s9 =	sld [smem:$0x7FB]  }
0x11d: {  	[tilespmem:s29], [sflag:$0x1] =	stream.indirect.gather [hbm4b:s8+s4], $0x1, s2, s4, $0xb8;
	[tilespmem:$0x4200] =	vst v63  }
0x11e: {  	s10 =	sld [smem:$0x7FC]  }
0x11f: {  	[tilespmem:s30], [sflag:$0x1] =	stream.indirect.gather [hbm4b:s9+s4], $0x1, s2, s4, $0xb8;
	[tilespmem:$0x4200] =	vst v63  }
0x120: {  	s11 =	sld [smem:$0x7FD]  }
0x121: {  	[tilespmem:s31], [sflag:$0x1] =	stream.indirect.gather [hbm4b:s10+s4], $0x1, s2, s4, $0xb8;
	[tilespmem:$0x4200] =	vst v63  }
0x122: {  	_ = 	snop  }
0x123: {  	[tilespmem:s20], [sflag:$0x1] =	stream.indirect.gather [hbm4b:s11+s4], $0x1, s2, s4, $0xb8;
	[tilespmem:$0x4200] =	vst v63  }
0x124: {  	_ =	swait.ge [sflag:s22], $0x200  }
0x125: {  	[sflag:s22] =	ssyncset.done $0x0  }
0x126: {  	[sflag:s22] =	ssyncadd.s32 $0xFFFFFE00  }
0x127: {  	_ =	swait.ge [sflag:s22], $0x200  }
0x128: {  	[sflag:s22] =	ssyncset.done $0x0  }
0x129: {  	[sflag:s22] =	ssyncadd.s32 $0xFFFFFE00  }
0x12a: {  	_ =	swait.ge [sflag:s22], $0x200  }
0x12b: {  	[sflag:s22] =	ssyncset.done $0x0  }
0x12c: {  	[sflag:s22] =	ssyncadd.s32 $0xFFFFFE00  }
0x12d: {  	_ =	swait.ge [sflag:s22], $0x200  }
0x12e: {  	[sflag:s22] =	ssyncset.done $0x0  }
0x12f: {  	[sflag:s22] =	ssyncadd.s32 $0xFFFFFE00  }
0x130: {  	_ =	swait.ge [sflag:s22], $0x200  }
0x131: {  	[sflag:s22] =	ssyncset.done $0x0  }
0x132: {  	[sflag:s22] =	ssyncadd.s32 $0xFFFFFE00  }
0x133: {  	_ =	swait.ge [sflag:s22], $0x200  }
0x134: {  	[sflag:s22] =	ssyncset.done $0x0  }
0x135: {  	[sflag:s22] =	ssyncadd.s32 $0xFFFFFE00  }
0x136: {  	_ =	swait.ge [sflag:s22], $0x200  }
0x137: {  	[sflag:s22] =	ssyncset.done $0x0  }
0x138: {  	[sflag:s22] =	ssyncadd.s32 $0xFFFFFE00  }
0x139: {  	_ =	swait.ge [sflag:s22], $0x200  }
0x13a: {  	[sflag:s22] =	ssyncset.done $0x0  }
0x13b: {  	[sflag:s22] =	ssyncadd.s32 $0xFFFFFE00  }
0x13c: {  	_ =	swait.ge [sflag:s22], $0x200  }
0x13d: {  	[sflag:s22] =	ssyncset.done $0x0  }
0x13e: {  	[sflag:s22] =	ssyncadd.s32 $0xFFFFFE00  }
0x13f: {  	_ =	swait.ge [sflag:s22], $0x200  }
0x140: {  	[sflag:s22] =	ssyncset.done $0x0  }
0x141: {  	[sflag:s22] =	ssyncadd.s32 $0xFFFFFE00  }
0x142: {  	_ =	swait.ge [sflag:s22], $0x200  }
0x143: {  	[sflag:s22] =	ssyncset.done $0x0  }
0x144: {  	[sflag:s22] =	ssyncadd.s32 $0xFFFFFE00  }
0x145: {  	_ =	swait.ge [sflag:s22], $0x200  }
0x146: {  	[sflag:s22] =	ssyncset.done $0x0  }
0x147: {  	[sflag:s22] =	ssyncadd.s32 $0xFFFFFE00  }
0x148: {  	_ =	swait.ge [sflag:s22], $0x200  }
0x149: {  	[sflag:s22] =	ssyncset.done $0x0  }
0x14a: {  	[sflag:s22] =	ssyncadd.s32 $0xFFFFFE00  }
0x14b: {  	_ =	swait.ge [sflag:s22], $0x200  }
0x14c: {  	[sflag:s22] =	ssyncset.done $0x0  }
0x14d: {  	[sflag:s22] =	ssyncadd.s32 $0xFFFFFE00  }
0x14e: {  	_ =	swait.ge [sflag:s22], $0x200  }
0x14f: {  	[sflag:s22] =	ssyncset.done $0x0  }
0x150: {  	[sflag:s22] =	ssyncadd.s32 $0xFFFFFE00  }
0x151: {  	_ =	swait.ge [sflag:s22], $0x200  }
0x152: {  	[sflag:s22] =	ssyncset.done $0x0  }
0x153: {  	[sflag:s22] =	ssyncadd.s32 $0xFFFFFE00  }
0x154: {  	_ =	swait.ge [sflag:s22], $0x200  }
0x155: {  	[sflag:s22] =	ssyncset.done $0x0  }
0x156: {  	[sflag:s22] =	ssyncadd.s32 $0xFFFFFE00  }
0x157: {  	_ =	swait.ge [sflag:s22], $0x200  }
0x158: {  	[sflag:s22] =	ssyncset.done $0x0  }
0x159: {  	[sflag:s22] =	ssyncadd.s32 $0xFFFFFE00  }
0x15a: {  	_ =	swait.ge [sflag:s22], $0x200  }
0x15b: {  	[sflag:s22] =	ssyncset.done $0x0  }
0x15c: {  	[sflag:s22] =	ssyncadd.s32 $0xFFFFFE00  }
0x15d: {  	_ =	swait.ge [sflag:s22], $0x200  }
0x15e: {  	[sflag:s22] =	ssyncset.done $0x0  }
0x15f: {  	[sflag:s22] =	ssyncadd.s32 $0xFFFFFE00  }
0x160: {  	_ =	swait.ge [sflag:s22], $0x200  }
0x161: {  	[sflag:s22] =	ssyncset.done $0x0  }
0x162: {  	[sflag:s22] =	ssyncadd.s32 $0xFFFFFE00  }
0x163: {  	_ =	swait.ge [sflag:s22], $0x200  }
0x164: {  	p0 =	sne.s32 s0, $0x1;
	[sflag:s22] =	ssyncset.done $0x0  }
.Ltmp1:
0x165: {  	[sflag:s22] =	ssyncadd.s32 $0xFFFFFE00;
	(pc) =	sbr.rel @p0 .LBB2_1-.Ltmp1, $4  }
0x166: {  	_ =	swait.ge [sflag:s22], $0x200  }
0x167: {  	[sflag:s22] =	ssyncset.done $0x0  }
0x168: {  	[sflag:s22] =	ssyncadd.s32 $0xFFFFFE00  }
0x169: {  	s0 =	sadd.s32 $0xFFFFFFFF, s0;
	_ =	swait.ge [sflag:s22], $0x200  }
.LBB2_2:
0x16a: {  	[sflag:s22] =	ssyncset.done $0x0  }
0x16b: {  	[sflag:s22] =	ssyncadd.s32 $0xFFFFFE00  }
0x16c: {  	_ =	swait.ge [sflag:s22], $0x200  }
0x16d: {  	[sflag:s22] =	ssyncset.done $0x0  }
0x16e: {  	[sflag:s22] =	ssyncadd.s32 $0xFFFFFE00  }
0x16f: {  	_ =	swait.ge [sflag:s22], $0x200  }
0x170: {  	[sflag:s22] =	ssyncset.done $0x0  }
0x171: {  	[sflag:s22] =	ssyncadd.s32 $0xFFFFFE00  }
0x172: {  	_ =	swait.ge [sflag:s22], $0x200  }
0x173: {  	[sflag:s22] =	ssyncset.done $0x0  }
0x174: {  	[sflag:s22] =	ssyncadd.s32 $0xFFFFFE00  }
0x175: {  	_ =	swait.ge [sflag:s22], $0x200  }
0x176: {  	[sflag:s22] =	ssyncset.done $0x0  }
0x177: {  	[sflag:s22] =	ssyncadd.s32 $0xFFFFFE00  }
0x178: {  	_ =	swait.ge [sflag:s22], $0x200  }
0x179: {  	[sflag:s22] =	ssyncset.done $0x0  }
0x17a: {  	[sflag:s22] =	ssyncadd.s32 $0xFFFFFE00  }
0x17b: {  	_ =	swait.ge [sflag:s22], $0x200  }
0x17c: {  	[sflag:s22] =	ssyncset.done $0x0  }
0x17d: {  	[sflag:s22] =	ssyncadd.s32 $0xFFFFFE00  }
0x17e: {  	_ =	swait.ge [sflag:s22], $0x200  }
0x17f: {  	[sflag:s22] =	ssyncset.done $0x0  }
0x180: {  	[sflag:s22] =	ssyncadd.s32 $0xFFFFFE00  }
0x181: {  	_ =	swait.ge [sflag:s22], $0x200  }
0x182: {  	s0 =	sld [smem:$0x7F3]  }
0x183: {  	[sflag:s22] =	ssyncset.done $0x0  }
0x184: {  	[sflag:s22] =	ssyncadd.s32 $0xFFFFFE00  }
0x185: {  	[hbm4b:s0+s4] =	stream.strided.scatter [tilespmem:s4], [sflag:$0x2], $0x4000, s20, s4, $0x38;
	[tilespmem:$0x4200] =	vst v63  }
0x186: {  	_ =	swait.ge [sflag:s3], $0x4000  }
0x187: {  	[sflag:s3] =	ssyncset.done $0x0  }
0x188: {  	[sflag:s3] =	ssyncadd.s32 $0xFFFFC000  }
0x189: {  	_ =	sfence.sel $0x180000  }
0x18a: {  	[bflag:$0x0] =	sbarrier.arrive $0xFFFF  }
0x18b: {  	_ =	strace $0x90000047  }
0x18c: {  	s31 =	stileid.u32;
	[bflag:$0x2] =	sbarrier.arrive $0xFFFF  }
0x18d: {  	p0 =	sne.s32 s31, $0x0;
	s0 =	rddreg [dreg:$0x2]  }
0x18e: {  	s0 =	sadd.s32 @!p0 $0x100000, s0  }
0x18f: {  	[sflag:s0] =	ssyncadd.tile.s32 @!p0 $0x1;
	_ =	shalt  }
.Lfunc_end2:
_tile_overlayer_lowered:
.L_overlay_start_2:
0x190: {  	(tag) =	ssettag $0x2  }
0x191: {  	s0 =	rddreg [dreg:$0x0];
	s2 =	stileid.u32  }
0x192: {  	s1 =	rddreg [dreg:$0x1];
	p0 =	sne.s32 s2, $0x0  }
0x193: {  	s3 =	rddreg [dreg:$0x2];
	[bflag:$0x3] =	sbarrier.arrive $0xFFFF;
	s2 =	simm.s32 @!p0 $0x1C02  }
0x194: {  	[timem:s3], [sflag:s2] =	dma.local @!p0 [hbm:s0], s1  }
0x195: {  	s0 =	simm.s32 @!p0 $0x2  }
0x196: {  	_ =	swait.ge @!p0 [sflag:s0], s1  }
0x197: {  	s1 =	ssub.s32 @!p0 $0x0, s1;
	[sflag:s0] =	ssyncset.done @!p0 $0x0  }
0x198: {  	[sflag:s0] =	ssyncadd.s32 @!p0 s1  }
0x199: {  	[bflag:$0x3] =	sbarrier.arrive $0xFFFF  }
0x19a: {  	_ =	shalt  }

</sc_bundles>
